<compile_context>
chip_gen: v7x
topology: tpu7x:2x2x1
jax: 0.10.2.dev20260603
libtpu: 0.0.44.dev20260713+nightly
codegen_flags: <defaults>
</compile_context>

<pallas_src>
import functools
import math

import jax
import jax.numpy as jnp
from jax import lax
from jax.experimental import pallas as pl
from jax.experimental.pallas import tpu as pltpu
from jax.experimental.pallas import tpu_sc as plsc

_NC = 2
_NS = 16
_NW = _NC * _NS
_CH = 80


def _sc_mesh_kernel(body, out_type, scratch_types):
    return pl.kernel(
        body,
        out_type=out_type,
        mesh=plsc.VectorSubcoreMesh(core_axis_name="c", subcore_axis_name="s"),
        compiler_params=pltpu.CompilerParams(use_tc_tiling_on_sc=False),
        scratch_types=scratch_types,
    )


def _sc_degree(ei4, zeros, ones_rows, n_acc, nch):
    rows_per_tile = n_acc // _NS

    def body(ei_hbm, zeros_hbm, ones_hbm, out0, out1, colidx_v, ones_v, acc_sh):
        c = lax.axis_index("c")
        s = lax.axis_index("s")
        wid = c * _NS + s
        sl = pl.ds(s * rows_per_tile, rows_per_tile)
        pltpu.sync_copy(zeros_hbm.at[sl], acc_sh.at[sl])
        pltpu.sync_copy(ei_hbm.at[1, wid], colidx_v)
        pltpu.sync_copy(ones_hbm, ones_v)
        plsc.subcore_barrier()

        def chunk(j, carry):
            pltpu.sync_copy(ones_v, acc_sh.at[colidx_v.at[j]], add=True)
            return carry

        lax.fori_loop(0, nch, chunk, 0)
        plsc.subcore_barrier()

        @pl.when(c == 0)
        def _():
            pltpu.sync_copy(acc_sh.at[sl], out0.at[sl])

        @pl.when(c == 1)
        def _():
            pltpu.sync_copy(acc_sh.at[sl], out1.at[sl])

    f = _sc_mesh_kernel(
        body,
        out_type=[jax.ShapeDtypeStruct((n_acc, 8), jnp.float32)] * 2,
        scratch_types=[
            pltpu.VMEM((nch, _CH), jnp.int32),
            pltpu.VMEM((_CH, 8), jnp.float32),
            pltpu.VMEM_SHARED((n_acc, 8), jnp.float32),
        ],
    )
    return f(ei4, zeros, ones_rows)


def _sc_aggregate(ei4, y, zeros, n_acc, nch, h):
    rows_per_tile = n_acc // _NS

    def body(ei_hbm, y_hbm, zeros_hbm, out0, out1,
             rowidx_v, colidx_v, gbuf0, gbuf1, acc_sh, sem0, sem1):
        c = lax.axis_index("c")
        s = lax.axis_index("s")
        wid = c * _NS + s
        sl = pl.ds(s * rows_per_tile, rows_per_tile)
        pltpu.sync_copy(zeros_hbm.at[sl], acc_sh.at[sl])
        pltpu.sync_copy(ei_hbm.at[0, wid], rowidx_v)
        pltpu.sync_copy(ei_hbm.at[1, wid], colidx_v)
        plsc.subcore_barrier()

        def fire(j, buf, sem):
            pltpu.async_copy(y_hbm.at[rowidx_v.at[j]], buf, sem)

        def wait(j, buf, sem):
            pltpu.make_async_copy(y_hbm.at[rowidx_v.at[j]], buf, sem).wait()

        def scat(j, buf):
            pltpu.sync_copy(buf, acc_sh.at[colidx_v.at[j]], add=True)

        fire(0, gbuf0, sem0)

        def pair(t, carry):
            j = 2 * t
            fire(j + 1, gbuf1, sem1)
            wait(j, gbuf0, sem0)
            scat(j, gbuf0)
            fire(j + 2, gbuf0, sem0)
            wait(j + 1, gbuf1, sem1)
            scat(j + 1, gbuf1)
            return carry

        lax.fori_loop(0, (nch - 1) // 2, pair, 0)
        wait(nch - 1, gbuf0, sem0)
        scat(nch - 1, gbuf0)
        plsc.subcore_barrier()

        @pl.when(c == 0)
        def _():
            pltpu.sync_copy(acc_sh.at[sl], out0.at[sl])

        @pl.when(c == 1)
        def _():
            pltpu.sync_copy(acc_sh.at[sl], out1.at[sl])

    f = _sc_mesh_kernel(
        body,
        out_type=[jax.ShapeDtypeStruct((n_acc, h), jnp.float32)] * 2,
        scratch_types=[
            pltpu.VMEM((nch, _CH), jnp.int32),
            pltpu.VMEM((nch, _CH), jnp.int32),
            pltpu.VMEM((_CH, h), jnp.float32),
            pltpu.VMEM((_CH, h), jnp.float32),
            pltpu.VMEM_SHARED((n_acc, h), jnp.float32),
            pltpu.SemaphoreType.DMA,
            pltpu.SemaphoreType.DMA,
        ],
    )
    return f(ei4, y, zeros)


def _proj1_body(x_ref, ws_ref, bs_ref, wg_ref,
                wq_ref, bq_ref, wk_ref, bk_ref, wv_ref, bv_ref,
                xs_o, xw_o, q_o, k_o, v_o, *, h):
    xs = jnp.dot(x_ref[...], ws_ref[...], preferred_element_type=jnp.float32)
    xs = xs + bs_ref[...]
    xs_o[...] = xs.astype(jnp.bfloat16)
    xw_o[...] = jnp.dot(xs, wg_ref[...], preferred_element_type=jnp.float32)
    q = jnp.dot(xs, wq_ref[...], preferred_element_type=jnp.float32) + bq_ref[...]
    q_o[...] = (q * (math.log2(math.e) / math.sqrt(h))).astype(jnp.bfloat16)
    k = jnp.dot(xs, wk_ref[...], preferred_element_type=jnp.float32) + bk_ref[...]
    v = jnp.dot(xs, wv_ref[...], preferred_element_type=jnp.float32) + bv_ref[...]
    k_o[...] = k.astype(jnp.bfloat16)
    ones = jnp.ones((v.shape[0], 1), jnp.float32)
    v_o[...] = jnp.concatenate([v, ones], axis=1).astype(jnp.bfloat16)


def _proj2_body(xw_ref, deg0_ref, deg1_ref, y_o, *, n):
    deg = deg0_ref[0:n, 0:1] + deg1_ref[0:n, 0:1] + 1.0
    y_o[...] = xw_ref[...] * lax.rsqrt(deg)


def _att_body(q_ref, k_ref, v_ref, wo_ref, bo_ref, xs_ref, o_ref):
    s = lax.dot_general(q_ref[...], k_ref[...], (((1,), (1,)), ((), ())),
                        preferred_element_type=jnp.float32)
    p = jnp.exp2(s).astype(jnp.bfloat16)
    pv = jnp.dot(p, v_ref[...], preferred_element_type=jnp.float32)
    h = pv.shape[1] - 1
    hv = pv[:, 0:h] / pv[:, h:h + 1]
    o_ref[...] = (jnp.dot(hv, wo_ref[...], preferred_element_type=jnp.float32)
                  + bo_ref[...] + xs_ref[...].astype(jnp.float32)).astype(jnp.bfloat16)


def _bn(hm, g, b):
    m = jnp.mean(hm, axis=0, keepdims=True)
    v = jnp.mean((hm - m) ** 2, axis=0, keepdims=True)
    return (hm - m) * lax.rsqrt(v + 1e-5) * g + b


def _fuse_body(hatt_ref, a0_ref, a1_ref, deg0_ref, deg1_ref, y_ref, xs_ref,
               bgcn_ref, g1_ref, be1_ref, g2_ref, be2_ref, w1_ref, b1_ref,
               w2_ref, b2_ref, g3_ref, be3_ref, wl_ref, bl_ref, o_ref, *, n):
    xs = xs_ref[...].astype(jnp.float32)
    deg = deg0_ref[0:n, 0:1] + deg1_ref[0:n, 0:1] + 1.0
    dinv = lax.rsqrt(deg)
    acc = a0_ref[0:n, :] + a1_ref[0:n, :] + y_ref[...]
    hconv = dinv * acc + bgcn_ref[...] + xs
    out = (_bn(hconv, g1_ref[...], be1_ref[...])
           + _bn(hatt_ref[...].astype(jnp.float32), g2_ref[...], be2_ref[...]))
    h1 = jnp.dot(out, w1_ref[...], preferred_element_type=jnp.float32) + b1_ref[...]
    h1 = jnp.maximum(h1, 0.0)
    out = out + jnp.dot(h1, w2_ref[...], preferred_element_type=jnp.float32) + b2_ref[...]
    out = _bn(out, g3_ref[...], be3_ref[...])
    logits = jnp.dot(out, wl_ref[...], preferred_element_type=jnp.float32) + bl_ref[...]
    mx = jnp.max(logits, axis=1, keepdims=True)
    e = jnp.exp(logits - mx)
    o_ref[...] = e / jnp.sum(e, axis=1, keepdims=True)


def kernel(x, edge_index, W_stretch, b_stretch, W_gcn, b_gcn, gamma1, beta1,
           Wq, bq, Wk, bk, Wv, bv, Wo, bo, gamma2, beta2, W1, b1, W2, b2,
           gamma3, beta3, W_lin, b_lin):
    n, f = x.shape
    e = edge_index.shape[1]
    h = W_stretch.shape[1]
    c_out = W_lin.shape[1]

    nch = e // (_NW * _CH)
    n_acc = -(-n // (_NS * 8)) * (_NS * 8)

    ei4 = edge_index.reshape(2, _NW, nch, _CH)
    zeros8 = jnp.zeros((n_acc, 8), jnp.float32)
    zerosh = jnp.zeros((n_acc, h), jnp.float32)
    ones_rows = jnp.zeros((_CH, 8), jnp.float32).at[:, 0].set(1.0)

    r1 = lambda a: a.reshape(1, -1)

    deg0, deg1 = _sc_degree(ei4, zeros8, ones_rows, n_acc, nch)

    o32 = jax.ShapeDtypeStruct((n, h), jnp.float32)
    obf = jax.ShapeDtypeStruct((n, h), jnp.bfloat16)
    obf1 = jax.ShapeDtypeStruct((n, h + 1), jnp.bfloat16)
    xs, xw, q, k, v = pl.pallas_call(
        functools.partial(_proj1_body, h=h),
        out_shape=[obf, o32, obf, obf, obf1],
    )(x, W_stretch, r1(b_stretch), W_gcn, Wq, r1(bq), Wk, r1(bk), Wv, r1(bv))

    y, = pl.pallas_call(
        functools.partial(_proj2_body, n=n),
        out_shape=[o32],
    )(xw, deg0, deg1)

    acc0, acc1 = _sc_aggregate(ei4, y, zerosh, n_acc, nch, h)

    br = 400
    grid = (n // br,)
    blk = lambda i: (i, 0)
    cst = lambda i: (0, 0)
    hatt = pl.pallas_call(
        _att_body,
        grid=grid,
        in_specs=[
            pl.BlockSpec((br, h), blk),
            pl.BlockSpec((n, h), cst),
            pl.BlockSpec((n, h + 1), cst),
            pl.BlockSpec((h, h), cst),
            pl.BlockSpec((1, h), cst),
            pl.BlockSpec((br, h), blk),
        ],
        out_specs=pl.BlockSpec((br, h), blk),
        out_shape=obf,
    )(q, k, v, Wo, r1(bo), xs)

    out = pl.pallas_call(
        functools.partial(_fuse_body, n=n),
        out_shape=jax.ShapeDtypeStruct((n, c_out), jnp.float32),
    )(hatt, acc0, acc1, deg0, deg1, y, xs, r1(b_gcn),
      r1(gamma1), r1(beta1), r1(gamma2), r1(beta2),
      W1, r1(b1), W2, r1(b2), r1(gamma3), r1(beta3), W_lin, r1(b_lin))
    return out

# --- scband reference (transcript-rebuilt; emitter-appended) ---
"""Pipeline reference for scband-gps-model-2396591751942 (READ-ONLY COPY).

The authoritative reference and input builder live on the scoring server;
editing this copy changes nothing except your own understanding.
"""

import jax, jax.numpy as jnp
import numpy as np

N = 10000
E = 320000
F = 128
H = 32
C = 40


def _bn(h, g, b):
    m = jnp.mean(h, axis=0)
    v = jnp.var(h, axis=0)
    return (h - m) / jnp.sqrt(v + 1e-5) * g + b


def _forward(edge_index, x, W_stretch, b_stretch, W_gcn, b_gcn, gamma1, beta1, Wq, bq, Wk, bk, Wv, bv, Wo, bo, gamma2, beta2, W1, b1, W2, b2, gamma3, beta3, W_lin, b_lin):
    xs = x @ W_stretch + b_stretch
    # --- GCNConv (add self-loops, symmetric gcn_norm, scatter-add aggregation) ---
    loop = jnp.arange(N, dtype=edge_index.dtype)
    row = jnp.concatenate([edge_index[0], loop])
    col = jnp.concatenate([edge_index[1], loop])
    w = jnp.ones(row.shape[0], dtype=xs.dtype)
    deg = jnp.zeros(N, dtype=xs.dtype).at[col].add(w)
    dinv = jnp.where(deg > 0, 1.0 / jnp.sqrt(jnp.maximum(deg, 1e-12)), 0.0)
    norm = dinv[row] * w * dinv[col]
    xw = xs @ W_gcn
    h_conv = jnp.zeros((N, H), dtype=xs.dtype).at[col].add(norm[:, None] * xw[row]) + b_gcn
    h_conv = h_conv + xs  # residual in GPSConv
    h_conv = _bn(h_conv, gamma1, beta1)
    # --- global multihead self-attention over all nodes (heads=1, batch=None) ---
    q = xs @ Wq + bq
    k = xs @ Wk + bk
    v = xs @ Wv + bv
    scores = (q @ k.T) / jnp.sqrt(jnp.asarray(H, dtype=xs.dtype))
    attn = jax.nn.softmax(scores, axis=-1)
    h_att = (attn @ v) @ Wo + bo
    h_att = h_att + xs  # residual
    h_att = _bn(h_att, gamma2, beta2)
    out = h_conv + h_att
    # --- GPSConv MLP block with residual ---
    out = out + jax.nn.relu(out @ W1 + b1) @ W2 + b2
    out = _bn(out, gamma3, beta3)
    logits = out @ W_lin + b_lin
    return jax.nn.softmax(logits, axis=1)


def setup_inputs(seed: int = 0):
    key = jax.random.key(seed)
    ks = jax.random.split(key, 16)
    def lin(k, fi, fo):
        return jax.random.normal(k, (fi, fo), dtype=jnp.float32) / np.sqrt(fi)
    inp = {}
    inp["x"] = jax.random.normal(ks[0], (N, F), dtype=jnp.float32)
    inp["edge_index"] = jax.random.randint(ks[1], (2, E), 0, N, dtype=jnp.int32)
    inp["W_stretch"] = lin(ks[2], F, H)
    inp["b_stretch"] = jnp.zeros((H,), jnp.float32)
    inp["W_gcn"] = lin(ks[3], H, H)
    inp["b_gcn"] = jnp.zeros((H,), jnp.float32)
    inp["gamma1"] = jnp.ones((H,), jnp.float32)
    inp["beta1"] = jnp.zeros((H,), jnp.float32)
    inp["Wq"] = lin(ks[4], H, H)
    inp["bq"] = jnp.zeros((H,), jnp.float32)
    inp["Wk"] = lin(ks[5], H, H)
    inp["bk"] = jnp.zeros((H,), jnp.float32)
    inp["Wv"] = lin(ks[6], H, H)
    inp["bv"] = jnp.zeros((H,), jnp.float32)
    inp["Wo"] = lin(ks[7], H, H)
    inp["bo"] = jnp.zeros((H,), jnp.float32)
    inp["gamma2"] = jnp.ones((H,), jnp.float32)
    inp["beta2"] = jnp.zeros((H,), jnp.float32)
    inp["W1"] = lin(ks[8], H, 2 * H)
    inp["b1"] = jnp.zeros((2 * H,), jnp.float32)
    inp["W2"] = lin(ks[9], 2 * H, H)
    inp["b2"] = jnp.zeros((H,), jnp.float32)
    inp["gamma3"] = jnp.ones((H,), jnp.float32)
    inp["beta3"] = jnp.zeros((H,), jnp.float32)
    inp["W_lin"] = lin(ks[10], H, C)
    inp["b_lin"] = jnp.zeros((C,), jnp.float32)
    return inp


def reference(x, edge_index, W_stretch, b_stretch, W_gcn, b_gcn, gamma1, beta1, Wq, bq, Wk, bk, Wv, bv, Wo, bo, gamma2, beta2, W1, b1, W2, b2, gamma3, beta3, W_lin, b_lin):
    return _forward(edge_index, x, W_stretch, b_stretch, W_gcn, b_gcn, gamma1, beta1, Wq, bq, Wk, bk, Wv, bv, Wo, bo, gamma2, beta2, W1, b1, W2, b2, gamma3, beta3, W_lin, b_lin)

if __name__ == "__main__":
    import jax
    _d = setup_inputs()
    print(jax.jit(kernel)(*tuple(_d.values())))

</pallas_src>

<mosaic_0001>
#map = affine_map<(d0, d1) -> (0, 0, 0, 0)>
#map1 = affine_map<(d0, d1) -> (0, 0)>
module attributes {stable_mosaic.version = 14 : i64} {
  func.func @body(%arg0: i32, %arg1: i32, %arg2: memref<2x32x125x80xi32, #tpu.memory_space<hbm>>, %arg3: memref<10000x32xf32, #tpu.memory_space<hbm>>, %arg4: memref<10112x32xf32, #tpu.memory_space<hbm>>, %arg5: memref<10112x32xf32, #tpu.memory_space<hbm>>, %arg6: memref<10112x32xf32, #tpu.memory_space<hbm>>, %arg7: memref<125x80xi32, #tpu.memory_space<vmem>>, %arg8: memref<125x80xi32, #tpu.memory_space<vmem>>, %arg9: memref<80x32xf32, #tpu.memory_space<vmem>>, %arg10: memref<80x32xf32, #tpu.memory_space<vmem>>, %arg11: memref<10112x32xf32, #tpu.memory_space<vmem_shared>>, %arg12: memref<!tpu.dma_semaphore, #tpu.memory_space<semaphore_mem>>, %arg13: memref<!tpu.dma_semaphore, #tpu.memory_space<semaphore_mem>>) attributes {dimension_semantics = [#tpu.dimension_semantics<core_parallel>, #tpu.dimension_semantics<subcore_parallel>], iteration_bounds = array<i64: 2, 16>, scalar_prefetch = 0 : i64, scratch_operands = 7 : i64, tpu.core_type = #tpu.core_type<sc_vector_subcore>, window_params = [{transform_indices = #map}, {transform_indices = #map1}, {transform_indices = #map1}, {transform_indices = #map1}, {transform_indices = #map1}]} {
    %mul3A = arith.constant 16 : i32
    %mul3A_0 = arith.muli %arg0, %mul3A : i32
    %add3A = arith.addi %mul3A_0, %arg1 : i32
    %mul3A_1 = arith.constant 632 : i32
    %mul3A_2 = arith.muli %arg1, %mul3A_1 : i32
    "tpu.region"() ({
      %run_scoped3A_30 = tpu.sem_alloc : memref<!tpu.dma_semaphore, #tpu.memory_space<semaphore_mem>>
      %dma_start3A_31 = arith.constant 0 : i32
      %dma_start3A_32 = tpu.memref_slice %arg11[%mul3A_2, %dma_start3A_31] : memref<10112x32xf32, #tpu.memory_space<vmem_shared>> -> memref<632x32xf32, #tpu.memory_space<vmem_shared>>
      %dma_start3A_33 = arith.constant 0 : i32
      %dma_start3A_34 = tpu.memref_slice %arg4[%mul3A_2, %dma_start3A_33] : memref<10112x32xf32, #tpu.memory_space<hbm>> -> memref<632x32xf32, #tpu.memory_space<hbm>>
      tpu.enqueue_dma source(%dma_start3A_34 : memref<632x32xf32, #tpu.memory_space<hbm>>) target(%dma_start3A_32 : memref<632x32xf32, #tpu.memory_space<vmem_shared>>) target_semaphore(%run_scoped3A_30 : memref<!tpu.dma_semaphore, #tpu.memory_space<semaphore_mem>>)
      %dma_wait3A_35 = arith.constant 0 : i32
      %dma_wait3A_36 = tpu.memref_slice %arg11[%mul3A_2, %dma_wait3A_35] : memref<10112x32xf32, #tpu.memory_space<vmem_shared>> -> memref<632x32xf32, #tpu.memory_space<vmem_shared>>
      %dma_wait3A_37 = arith.constant 0 : i32
      %dma_wait3A_38 = tpu.memref_slice %arg4[%mul3A_2, %dma_wait3A_37] : memref<10112x32xf32, #tpu.memory_space<hbm>> -> memref<632x32xf32, #tpu.memory_space<hbm>>
      tpu.wait_dma2 semaphore(%run_scoped3A_30 : memref<!tpu.dma_semaphore, #tpu.memory_space<semaphore_mem>>) src(%dma_wait3A_38 : memref<632x32xf32, #tpu.memory_space<hbm>>) dst(%dma_wait3A_36 : memref<632x32xf32, #tpu.memory_space<vmem_shared>>)
      tpu.yield
    }) : () -> ()
    %run_scoped3A = arith.constant 0 : i32
    "tpu.region"() ({
      %run_scoped3A_30 = tpu.sem_alloc : memref<!tpu.dma_semaphore, #tpu.memory_space<semaphore_mem>>
      %dma_start3A_31 = arith.constant 0 : i32
      %dma_start3A_32 = arith.constant 0 : i32
      %dma_start3A_33 = tpu.memref_slice %arg2[%run_scoped3A, %add3A, %dma_start3A_31, %dma_start3A_32] : memref<2x32x125x80xi32, #tpu.memory_space<hbm>> -> memref<1x1x125x80xi32, #tpu.memory_space<hbm>>
      %dma_start3A_34 = tpu.memref_squeeze %dma_start3A_33 : memref<1x1x125x80xi32, #tpu.memory_space<hbm>> -> memref<125x80xi32, #tpu.memory_space<hbm>>
      %dma_start3A_35 = arith.constant 0 : i32
      %dma_start3A_36 = arith.constant 0 : i32
      %dma_start3A_37 = tpu.memref_slice %arg2[%run_scoped3A, %add3A, %dma_start3A_35, %dma_start3A_36] : memref<2x32x125x80xi32, #tpu.memory_space<hbm>> -> memref<1x1x125x80xi32, #tpu.memory_space<hbm>>
      %dma_start3A_38 = tpu.memref_squeeze %dma_start3A_37 : memref<1x1x125x80xi32, #tpu.memory_space<hbm>> -> memref<125x80xi32, #tpu.memory_space<hbm>>
      tpu.enqueue_dma source(%dma_start3A_38 : memref<125x80xi32, #tpu.memory_space<hbm>>) target(%arg7 : memref<125x80xi32, #tpu.memory_space<vmem>>) target_semaphore(%run_scoped3A_30 : memref<!tpu.dma_semaphore, #tpu.memory_space<semaphore_mem>>)
      %dma_wait3A_39 = arith.constant 0 : i32
      %dma_wait3A_40 = arith.constant 0 : i32
      %dma_wait3A_41 = tpu.memref_slice %arg2[%run_scoped3A, %add3A, %dma_wait3A_39, %dma_wait3A_40] : memref<2x32x125x80xi32, #tpu.memory_space<hbm>> -> memref<1x1x125x80xi32, #tpu.memory_space<hbm>>
      %dma_wait3A_42 = tpu.memref_squeeze %dma_wait3A_41 : memref<1x1x125x80xi32, #tpu.memory_space<hbm>> -> memref<125x80xi32, #tpu.memory_space<hbm>>
      %dma_wait3A_43 = arith.constant 0 : i32
      %dma_wait3A_44 = arith.constant 0 : i32
      %dma_wait3A_45 = tpu.memref_slice %arg2[%run_scoped3A, %add3A, %dma_wait3A_43, %dma_wait3A_44] : memref<2x32x125x80xi32, #tpu.memory_space<hbm>> -> memref<1x1x125x80xi32, #tpu.memory_space<hbm>>
      %dma_wait3A_46 = tpu.memref_squeeze %dma_wait3A_45 : memref<1x1x125x80xi32, #tpu.memory_space<hbm>> -> memref<125x80xi32, #tpu.memory_space<hbm>>
      tpu.wait_dma2 semaphore(%run_scoped3A_30 : memref<!tpu.dma_semaphore, #tpu.memory_space<semaphore_mem>>) src(%dma_wait3A_46 : memref<125x80xi32, #tpu.memory_space<hbm>>) dst(%arg7 : memref<125x80xi32, #tpu.memory_space<vmem>>)
      tpu.yield
    }) : () -> ()
    %run_scoped3A_3 = arith.constant 1 : i32
    "tpu.region"() ({
      %run_scoped3A_30 = tpu.sem_alloc : memref<!tpu.dma_semaphore, #tpu.memory_space<semaphore_mem>>
      %dma_start3A_31 = arith.constant 0 : i32
      %dma_start3A_32 = arith.constant 0 : i32
      %dma_start3A_33 = tpu.memref_slice %arg2[%run_scoped3A_3, %add3A, %dma_start3A_31, %dma_start3A_32] : memref<2x32x125x80xi32, #tpu.memory_space<hbm>> -> memref<1x1x125x80xi32, #tpu.memory_space<hbm>>
      %dma_start3A_34 = tpu.memref_squeeze %dma_start3A_33 : memref<1x1x125x80xi32, #tpu.memory_space<hbm>> -> memref<125x80xi32, #tpu.memory_space<hbm>>
      %dma_start3A_35 = arith.constant 0 : i32
      %dma_start3A_36 = arith.constant 0 : i32
      %dma_start3A_37 = tpu.memref_slice %arg2[%run_scoped3A_3, %add3A, %dma_start3A_35, %dma_start3A_36] : memref<2x32x125x80xi32, #tpu.memory_space<hbm>> -> memref<1x1x125x80xi32, #tpu.memory_space<hbm>>
      %dma_start3A_38 = tpu.memref_squeeze %dma_start3A_37 : memref<1x1x125x80xi32, #tpu.memory_space<hbm>> -> memref<125x80xi32, #tpu.memory_space<hbm>>
      tpu.enqueue_dma source(%dma_start3A_38 : memref<125x80xi32, #tpu.memory_space<hbm>>) target(%arg8 : memref<125x80xi32, #tpu.memory_space<vmem>>) target_semaphore(%run_scoped3A_30 : memref<!tpu.dma_semaphore, #tpu.memory_space<semaphore_mem>>)
      %dma_wait3A_39 = arith.constant 0 : i32
      %dma_wait3A_40 = arith.constant 0 : i32
      %dma_wait3A_41 = tpu.memref_slice %arg2[%run_scoped3A_3, %add3A, %dma_wait3A_39, %dma_wait3A_40] : memref<2x32x125x80xi32, #tpu.memory_space<hbm>> -> memref<1x1x125x80xi32, #tpu.memory_space<hbm>>
      %dma_wait3A_42 = tpu.memref_squeeze %dma_wait3A_41 : memref<1x1x125x80xi32, #tpu.memory_space<hbm>> -> memref<125x80xi32, #tpu.memory_space<hbm>>
      %dma_wait3A_43 = arith.constant 0 : i32
      %dma_wait3A_44 = arith.constant 0 : i32
      %dma_wait3A_45 = tpu.memref_slice %arg2[%run_scoped3A_3, %add3A, %dma_wait3A_43, %dma_wait3A_44] : memref<2x32x125x80xi32, #tpu.memory_space<hbm>> -> memref<1x1x125x80xi32, #tpu.memory_space<hbm>>
      %dma_wait3A_46 = tpu.memref_squeeze %dma_wait3A_45 : memref<1x1x125x80xi32, #tpu.memory_space<hbm>> -> memref<125x80xi32, #tpu.memory_space<hbm>>
      tpu.wait_dma2 semaphore(%run_scoped3A_30 : memref<!tpu.dma_semaphore, #tpu.memory_space<semaphore_mem>>) src(%dma_wait3A_46 : memref<125x80xi32, #tpu.memory_space<hbm>>) dst(%arg8 : memref<125x80xi32, #tpu.memory_space<vmem>>)
      tpu.yield
    }) : () -> ()
    %barrier3A = arith.constant 0 : index
    tpu.barrier barrier_id(%barrier3A)
    %dma_start3A = arith.constant 0 : i32
    %dma_start3A_4 = arith.constant 0 : i32
    %dma_start3A_5 = tpu.memref_slice %arg7[%dma_start3A, %dma_start3A_4] : memref<125x80xi32, #tpu.memory_space<vmem>> -> memref<1x80xi32, #tpu.memory_space<vmem>>
    %dma_start3A_6 = tpu.memref_squeeze %dma_start3A_5 : memref<1x80xi32, #tpu.memory_space<vmem>> -> memref<80xi32, #tpu.memory_space<vmem>>
    %dma_start3A_7 = arith.constant 0 : i32
    %dma_start3A_8 = arith.constant 0 : i32
    %dma_start3A_9 = tpu.memref_slice %arg3[%dma_start3A_7, %dma_start3A_8] : memref<10000x32xf32, #tpu.memory_space<hbm>> -> memref<10000x32xf32, #tpu.memory_space<hbm>>
    tpu.enqueue_indirect_dma source(%dma_start3A_9 : memref<10000x32xf32, #tpu.memory_space<hbm>>) target(%arg9 : memref<80x32xf32, #tpu.memory_space<vmem>>) offsets(%dma_start3A_6 : memref<80xi32, #tpu.memory_space<vmem>>) semaphore(%arg12 : memref<!tpu.dma_semaphore, #tpu.memory_space<semaphore_mem>>)
    %scan3A = arith.constant 0 : i32
    %scan3A_10 = arith.constant 0 : i32
    %scan3A_11 = arith.constant 62 : i32
    %scan3A_12 = arith.addi %scan3A_10, %scan3A_11 : i32
    %scan3A_13 = arith.constant 1 : i32
    scf.for %scan3A_30 = %scan3A_10 to %scan3A_12 step %scan3A_13  : i32 {
      %mul3A_31 = arith.constant 2 : i32
      %mul3A_32 = arith.muli %mul3A_31, %scan3A_30 : i32
      %add3A_33 = arith.constant 1 : i32
      %add3A_34 = arith.addi %mul3A_32, %add3A_33 : i32
      %dma_start3A_35 = arith.constant 0 : i32
      %dma_start3A_36 = tpu.memref_slice %arg7[%add3A_34, %dma_start3A_35] : memref<125x80xi32, #tpu.memory_space<vmem>> -> memref<1x80xi32, #tpu.memory_space<vmem>>
      %dma_start3A_37 = tpu.memref_squeeze %dma_start3A_36 : memref<1x80xi32, #tpu.memory_space<vmem>> -> memref<80xi32, #tpu.memory_space<vmem>>
      %dma_start3A_38 = arith.constant 0 : i32
      %dma_start3A_39 = arith.constant 0 : i32
      %dma_start3A_40 = tpu.memref_slice %arg3[%dma_start3A_38, %dma_start3A_39] : memref<10000x32xf32, #tpu.memory_space<hbm>> -> memref<10000x32xf32, #tpu.memory_space<hbm>>
      tpu.enqueue_indirect_dma source(%dma_start3A_40 : memref<10000x32xf32, #tpu.memory_space<hbm>>) target(%arg10 : memref<80x32xf32, #tpu.memory_space<vmem>>) offsets(%dma_start3A_37 : memref<80xi32, #tpu.memory_space<vmem>>) semaphore(%arg13 : memref<!tpu.dma_semaphore, #tpu.memory_space<semaphore_mem>>)
      %dma_wait3A_41 = arith.constant 0 : i32
      %dma_wait3A_42 = tpu.memref_slice %arg7[%mul3A_32, %dma_wait3A_41] : memref<125x80xi32, #tpu.memory_space<vmem>> -> memref<1x80xi32, #tpu.memory_space<vmem>>
      %dma_wait3A_43 = tpu.memref_squeeze %dma_wait3A_42 : memref<1x80xi32, #tpu.memory_space<vmem>> -> memref<80xi32, #tpu.memory_space<vmem>>
      %dma_wait3A_44 = arith.constant 0 : i32
      %dma_wait3A_45 = arith.constant 0 : i32
      %dma_wait3A_46 = tpu.memref_slice %arg3[%dma_wait3A_44, %dma_wait3A_45] : memref<10000x32xf32, #tpu.memory_space<hbm>> -> memref<10000x32xf32, #tpu.memory_space<hbm>>
      tpu.wait_indirect_dma semaphore(%arg12 : memref<!tpu.dma_semaphore, #tpu.memory_space<semaphore_mem>>) src(%dma_wait3A_46 : memref<10000x32xf32, #tpu.memory_space<hbm>>) dst(%arg9 : memref<80x32xf32, #tpu.memory_space<vmem>>)
      "tpu.region"() ({
        %run_scoped3A_65 = tpu.sem_alloc : memref<!tpu.dma_semaphore, #tpu.memory_space<semaphore_mem>>
        %dma_start3A_66 = arith.constant 0 : i32
        %dma_start3A_67 = tpu.memref_slice %arg8[%mul3A_32, %dma_start3A_66] : memref<125x80xi32, #tpu.memory_space<vmem>> -> memref<1x80xi32, #tpu.memory_space<vmem>>
        %dma_start3A_68 = tpu.memref_squeeze %dma_start3A_67 : memref<1x80xi32, #tpu.memory_space<vmem>> -> memref<80xi32, #tpu.memory_space<vmem>>
        %dma_start3A_69 = arith.constant 0 : i32
        %dma_start3A_70 = arith.constant 0 : i32
        %dma_start3A_71 = tpu.memref_slice %arg11[%dma_start3A_69, %dma_start3A_70] : memref<10112x32xf32, #tpu.memory_space<vmem_shared>> -> memref<10112x32xf32, #tpu.memory_space<vmem_shared>>
        tpu.enqueue_indirect_dma source(%arg9 : memref<80x32xf32, #tpu.memory_space<vmem>>) target(%dma_start3A_71 : memref<10112x32xf32, #tpu.memory_space<vmem_shared>>) offsets(%dma_start3A_68 : memref<80xi32, #tpu.memory_space<vmem>>) semaphore(%run_scoped3A_65 : memref<!tpu.dma_semaphore, #tpu.memory_space<semaphore_mem>>) {add = true}
        %dma_wait3A_72 = arith.constant 0 : i32
        %dma_wait3A_73 = tpu.memref_slice %arg8[%mul3A_32, %dma_wait3A_72] : memref<125x80xi32, #tpu.memory_space<vmem>> -> memref<1x80xi32, #tpu.memory_space<vmem>>
        %dma_wait3A_74 = tpu.memref_squeeze %dma_wait3A_73 : memref<1x80xi32, #tpu.memory_space<vmem>> -> memref<80xi32, #tpu.memory_space<vmem>>
        %dma_wait3A_75 = arith.constant 0 : i32
        %dma_wait3A_76 = arith.constant 0 : i32
        %dma_wait3A_77 = tpu.memref_slice %arg11[%dma_wait3A_75, %dma_wait3A_76] : memref<10112x32xf32, #tpu.memory_space<vmem_shared>> -> memref<10112x32xf32, #tpu.memory_space<vmem_shared>>
        tpu.wait_indirect_dma semaphore(%run_scoped3A_65 : memref<!tpu.dma_semaphore, #tpu.memory_space<semaphore_mem>>) src(%arg9 : memref<80x32xf32, #tpu.memory_space<vmem>>) dst(%dma_wait3A_77 : memref<10112x32xf32, #tpu.memory_space<vmem_shared>>)
        tpu.yield
      }) : () -> ()
      %add3A_47 = arith.constant 2 : i32
      %add3A_48 = arith.addi %mul3A_32, %add3A_47 : i32
      %dma_start3A_49 = arith.constant 0 : i32
      %dma_start3A_50 = tpu.memref_slice %arg7[%add3A_48, %dma_start3A_49] : memref<125x80xi32, #tpu.memory_space<vmem>> -> memref<1x80xi32, #tpu.memory_space<vmem>>
      %dma_start3A_51 = tpu.memref_squeeze %dma_start3A_50 : memref<1x80xi32, #tpu.memory_space<vmem>> -> memref<80xi32, #tpu.memory_space<vmem>>
      %dma_start3A_52 = arith.constant 0 : i32
      %dma_start3A_53 = arith.constant 0 : i32
      %dma_start3A_54 = tpu.memref_slice %arg3[%dma_start3A_52, %dma_start3A_53] : memref<10000x32xf32, #tpu.memory_space<hbm>> -> memref<10000x32xf32, #tpu.memory_space<hbm>>
      tpu.enqueue_indirect_dma source(%dma_start3A_54 : memref<10000x32xf32, #tpu.memory_space<hbm>>) target(%arg9 : memref<80x32xf32, #tpu.memory_space<vmem>>) offsets(%dma_start3A_51 : memref<80xi32, #tpu.memory_space<vmem>>) semaphore(%arg12 : memref<!tpu.dma_semaphore, #tpu.memory_space<semaphore_mem>>)
      %add3A_55 = arith.constant 1 : i32
      %add3A_56 = arith.addi %mul3A_32, %add3A_55 : i32
      %dma_wait3A_57 = arith.constant 0 : i32
      %dma_wait3A_58 = tpu.memref_slice %arg7[%add3A_56, %dma_wait3A_57] : memref<125x80xi32, #tpu.memory_space<vmem>> -> memref<1x80xi32, #tpu.memory_space<vmem>>
      %dma_wait3A_59 = tpu.memref_squeeze %dma_wait3A_58 : memref<1x80xi32, #tpu.memory_space<vmem>> -> memref<80xi32, #tpu.memory_space<vmem>>
      %dma_wait3A_60 = arith.constant 0 : i32
      %dma_wait3A_61 = arith.constant 0 : i32
      %dma_wait3A_62 = tpu.memref_slice %arg3[%dma_wait3A_60, %dma_wait3A_61] : memref<10000x32xf32, #tpu.memory_space<hbm>> -> memref<10000x32xf32, #tpu.memory_space<hbm>>
      tpu.wait_indirect_dma semaphore(%arg13 : memref<!tpu.dma_semaphore, #tpu.memory_space<semaphore_mem>>) src(%dma_wait3A_62 : memref<10000x32xf32, #tpu.memory_space<hbm>>) dst(%arg10 : memref<80x32xf32, #tpu.memory_space<vmem>>)
      %add3A_63 = arith.constant 1 : i32
      %add3A_64 = arith.addi %mul3A_32, %add3A_63 : i32
      "tpu.region"() ({
        %run_scoped3A_65 = tpu.sem_alloc : memref<!tpu.dma_semaphore, #tpu.memory_space<semaphore_mem>>
        %dma_start3A_66 = arith.constant 0 : i32
        %dma_start3A_67 = tpu.memref_slice %arg8[%add3A_64, %dma_start3A_66] : memref<125x80xi32, #tpu.memory_space<vmem>> -> memref<1x80xi32, #tpu.memory_space<vmem>>
        %dma_start3A_68 = tpu.memref_squeeze %dma_start3A_67 : memref<1x80xi32, #tpu.memory_space<vmem>> -> memref<80xi32, #tpu.memory_space<vmem>>
        %dma_start3A_69 = arith.constant 0 : i32
        %dma_start3A_70 = arith.constant 0 : i32
        %dma_start3A_71 = tpu.memref_slice %arg11[%dma_start3A_69, %dma_start3A_70] : memref<10112x32xf32, #tpu.memory_space<vmem_shared>> -> memref<10112x32xf32, #tpu.memory_space<vmem_shared>>
        tpu.enqueue_indirect_dma source(%arg10 : memref<80x32xf32, #tpu.memory_space<vmem>>) target(%dma_start3A_71 : memref<10112x32xf32, #tpu.memory_space<vmem_shared>>) offsets(%dma_start3A_68 : memref<80xi32, #tpu.memory_space<vmem>>) semaphore(%run_scoped3A_65 : memref<!tpu.dma_semaphore, #tpu.memory_space<semaphore_mem>>) {add = true}
        %dma_wait3A_72 = arith.constant 0 : i32
        %dma_wait3A_73 = tpu.memref_slice %arg8[%add3A_64, %dma_wait3A_72] : memref<125x80xi32, #tpu.memory_space<vmem>> -> memref<1x80xi32, #tpu.memory_space<vmem>>
        %dma_wait3A_74 = tpu.memref_squeeze %dma_wait3A_73 : memref<1x80xi32, #tpu.memory_space<vmem>> -> memref<80xi32, #tpu.memory_space<vmem>>
        %dma_wait3A_75 = arith.constant 0 : i32
        %dma_wait3A_76 = arith.constant 0 : i32
        %dma_wait3A_77 = tpu.memref_slice %arg11[%dma_wait3A_75, %dma_wait3A_76] : memref<10112x32xf32, #tpu.memory_space<vmem_shared>> -> memref<10112x32xf32, #tpu.memory_space<vmem_shared>>
        tpu.wait_indirect_dma semaphore(%run_scoped3A_65 : memref<!tpu.dma_semaphore, #tpu.memory_space<semaphore_mem>>) src(%arg10 : memref<80x32xf32, #tpu.memory_space<vmem>>) dst(%dma_wait3A_77 : memref<10112x32xf32, #tpu.memory_space<vmem_shared>>)
        tpu.yield
      }) : () -> ()
    }
    %scan3A_14 = arith.constant 62 : i32
    %dma_wait3A = arith.constant 124 : i32
    %dma_wait3A_15 = arith.constant 0 : i32
    %dma_wait3A_16 = tpu.memref_slice %arg7[%dma_wait3A, %dma_wait3A_15] : memref<125x80xi32, #tpu.memory_space<vmem>> -> memref<1x80xi32, #tpu.memory_space<vmem>>
    %dma_wait3A_17 = tpu.memref_squeeze %dma_wait3A_16 : memref<1x80xi32, #tpu.memory_space<vmem>> -> memref<80xi32, #tpu.memory_space<vmem>>
    %dma_wait3A_18 = arith.constant 0 : i32
    %dma_wait3A_19 = arith.constant 0 : i32
    %dma_wait3A_20 = tpu.memref_slice %arg3[%dma_wait3A_18, %dma_wait3A_19] : memref<10000x32xf32, #tpu.memory_space<hbm>> -> memref<10000x32xf32, #tpu.memory_space<hbm>>
    tpu.wait_indirect_dma semaphore(%arg12 : memref<!tpu.dma_semaphore, #tpu.memory_space<semaphore_mem>>) src(%dma_wait3A_20 : memref<10000x32xf32, #tpu.memory_space<hbm>>) dst(%arg9 : memref<80x32xf32, #tpu.memory_space<vmem>>)
    %run_scoped3A_21 = arith.constant 124 : i32
    "tpu.region"() ({
      %run_scoped3A_30 = tpu.sem_alloc : memref<!tpu.dma_semaphore, #tpu.memory_space<semaphore_mem>>
      %dma_start3A_31 = arith.constant 0 : i32
      %dma_start3A_32 = tpu.memref_slice %arg8[%run_scoped3A_21, %dma_start3A_31] : memref<125x80xi32, #tpu.memory_space<vmem>> -> memref<1x80xi32, #tpu.memory_space<vmem>>
      %dma_start3A_33 = tpu.memref_squeeze %dma_start3A_32 : memref<1x80xi32, #tpu.memory_space<vmem>> -> memref<80xi32, #tpu.memory_space<vmem>>
      %dma_start3A_34 = arith.constant 0 : i32
      %dma_start3A_35 = arith.constant 0 : i32
      %dma_start3A_36 = tpu.memref_slice %arg11[%dma_start3A_34, %dma_start3A_35] : memref<10112x32xf32, #tpu.memory_space<vmem_shared>> -> memref<10112x32xf32, #tpu.memory_space<vmem_shared>>
      tpu.enqueue_indirect_dma source(%arg9 : memref<80x32xf32, #tpu.memory_space<vmem>>) target(%dma_start3A_36 : memref<10112x32xf32, #tpu.memory_space<vmem_shared>>) offsets(%dma_start3A_33 : memref<80xi32, #tpu.memory_space<vmem>>) semaphore(%run_scoped3A_30 : memref<!tpu.dma_semaphore, #tpu.memory_space<semaphore_mem>>) {add = true}
      %dma_wait3A_37 = arith.constant 0 : i32
      %dma_wait3A_38 = tpu.memref_slice %arg8[%run_scoped3A_21, %dma_wait3A_37] : memref<125x80xi32, #tpu.memory_space<vmem>> -> memref<1x80xi32, #tpu.memory_space<vmem>>
      %dma_wait3A_39 = tpu.memref_squeeze %dma_wait3A_38 : memref<1x80xi32, #tpu.memory_space<vmem>> -> memref<80xi32, #tpu.memory_space<vmem>>
      %dma_wait3A_40 = arith.constant 0 : i32
      %dma_wait3A_41 = arith.constant 0 : i32
      %dma_wait3A_42 = tpu.memref_slice %arg11[%dma_wait3A_40, %dma_wait3A_41] : memref<10112x32xf32, #tpu.memory_space<vmem_shared>> -> memref<10112x32xf32, #tpu.memory_space<vmem_shared>>
      tpu.wait_indirect_dma semaphore(%run_scoped3A_30 : memref<!tpu.dma_semaphore, #tpu.memory_space<semaphore_mem>>) src(%arg9 : memref<80x32xf32, #tpu.memory_space<vmem>>) dst(%dma_wait3A_42 : memref<10112x32xf32, #tpu.memory_space<vmem_shared>>)
      tpu.yield
    }) : () -> ()
    %barrier3A_22 = arith.constant 0 : index
    tpu.barrier barrier_id(%barrier3A_22)
    %eq3A = arith.constant 0 : i32
    %eq3A_23 = arith.cmpi eq, %arg0, %eq3A : i32
    %convert_element_type3A = arith.extui %eq3A_23 : i1 to i32
    %cond3A = arith.constant 0 : i32
    %cond3A_24 = arith.cmpi ne, %convert_element_type3A, %cond3A : i32
    scf.if %cond3A_24 {
      "tpu.region"() ({
        %run_scoped3A_30 = tpu.sem_alloc : memref<!tpu.dma_semaphore, #tpu.memory_space<semaphore_mem>>
        %dma_start3A_31 = arith.constant 0 : i32
        %dma_start3A_32 = tpu.memref_slice %arg5[%mul3A_2, %dma_start3A_31] : memref<10112x32xf32, #tpu.memory_space<hbm>> -> memref<632x32xf32, #tpu.memory_space<hbm>>
        %dma_start3A_33 = arith.constant 0 : i32
        %dma_start3A_34 = tpu.memref_slice %arg11[%mul3A_2, %dma_start3A_33] : memref<10112x32xf32, #tpu.memory_space<vmem_shared>> -> memref<632x32xf32, #tpu.memory_space<vmem_shared>>
        tpu.enqueue_dma source(%dma_start3A_34 : memref<632x32xf32, #tpu.memory_space<vmem_shared>>) target(%dma_start3A_32 : memref<632x32xf32, #tpu.memory_space<hbm>>) target_semaphore(%run_scoped3A_30 : memref<!tpu.dma_semaphore, #tpu.memory_space<semaphore_mem>>)
        %dma_wait3A_35 = arith.constant 0 : i32
        %dma_wait3A_36 = tpu.memref_slice %arg5[%mul3A_2, %dma_wait3A_35] : memref<10112x32xf32, #tpu.memory_space<hbm>> -> memref<632x32xf32, #tpu.memory_space<hbm>>
        %dma_wait3A_37 = arith.constant 0 : i32
        %dma_wait3A_38 = tpu.memref_slice %arg11[%mul3A_2, %dma_wait3A_37] : memref<10112x32xf32, #tpu.memory_space<vmem_shared>> -> memref<632x32xf32, #tpu.memory_space<vmem_shared>>
        tpu.wait_dma2 semaphore(%run_scoped3A_30 : memref<!tpu.dma_semaphore, #tpu.memory_space<semaphore_mem>>) src(%dma_wait3A_38 : memref<632x32xf32, #tpu.memory_space<vmem_shared>>) dst(%dma_wait3A_36 : memref<632x32xf32, #tpu.memory_space<hbm>>)
        tpu.yield
      }) : () -> ()
    } else {
    }
    %eq3A_25 = arith.constant 1 : i32
    %eq3A_26 = arith.cmpi eq, %arg0, %eq3A_25 : i32
    %convert_element_type3A_27 = arith.extui %eq3A_26 : i1 to i32
    %cond3A_28 = arith.constant 0 : i32
    %cond3A_29 = arith.cmpi ne, %convert_element_type3A_27, %cond3A_28 : i32
    scf.if %cond3A_29 {
      "tpu.region"() ({
        %run_scoped3A_30 = tpu.sem_alloc : memref<!tpu.dma_semaphore, #tpu.memory_space<semaphore_mem>>
        %dma_start3A_31 = arith.constant 0 : i32
        %dma_start3A_32 = tpu.memref_slice %arg6[%mul3A_2, %dma_start3A_31] : memref<10112x32xf32, #tpu.memory_space<hbm>> -> memref<632x32xf32, #tpu.memory_space<hbm>>
        %dma_start3A_33 = arith.constant 0 : i32
        %dma_start3A_34 = tpu.memref_slice %arg11[%mul3A_2, %dma_start3A_33] : memref<10112x32xf32, #tpu.memory_space<vmem_shared>> -> memref<632x32xf32, #tpu.memory_space<vmem_shared>>
        tpu.enqueue_dma source(%dma_start3A_34 : memref<632x32xf32, #tpu.memory_space<vmem_shared>>) target(%dma_start3A_32 : memref<632x32xf32, #tpu.memory_space<hbm>>) target_semaphore(%run_scoped3A_30 : memref<!tpu.dma_semaphore, #tpu.memory_space<semaphore_mem>>)
        %dma_wait3A_35 = arith.constant 0 : i32
        %dma_wait3A_36 = tpu.memref_slice %arg6[%mul3A_2, %dma_wait3A_35] : memref<10112x32xf32, #tpu.memory_space<hbm>> -> memref<632x32xf32, #tpu.memory_space<hbm>>
        %dma_wait3A_37 = arith.constant 0 : i32
        %dma_wait3A_38 = tpu.memref_slice %arg11[%mul3A_2, %dma_wait3A_37] : memref<10112x32xf32, #tpu.memory_space<vmem_shared>> -> memref<632x32xf32, #tpu.memory_space<vmem_shared>>
        tpu.wait_dma2 semaphore(%run_scoped3A_30 : memref<!tpu.dma_semaphore, #tpu.memory_space<semaphore_mem>>) src(%dma_wait3A_38 : memref<632x32xf32, #tpu.memory_space<vmem_shared>>) dst(%dma_wait3A_36 : memref<632x32xf32, #tpu.memory_space<hbm>>)
        tpu.yield
      }) : () -> ()
    } else {
    }
    return
  }
}

#map = affine_map<(d0, d1) -> (0, 0, 0, 0)>
#map1 = affine_map<(d0, d1) -> (0, 0)>
module attributes {stable_mosaic.version = 14 : i64} {
  func.func @body(%arg0: i32, %arg1: i32, %arg2: memref<2x32x125x80xi32, #tpu.memory_space<hbm>>, %arg3: memref<10112x8xf32, #tpu.memory_space<hbm>>, %arg4: memref<80x8xf32, #tpu.memory_space<hbm>>, %arg5: memref<10112x8xf32, #tpu.memory_space<hbm>>, %arg6: memref<10112x8xf32, #tpu.memory_space<hbm>>, %arg7: memref<125x80xi32, #tpu.memory_space<vmem>>, %arg8: memref<80x8xf32, #tpu.memory_space<vmem>>, %arg9: memref<10112x8xf32, #tpu.memory_space<vmem_shared>>) attributes {dimension_semantics = [#tpu.dimension_semantics<core_parallel>, #tpu.dimension_semantics<subcore_parallel>], iteration_bounds = array<i64: 2, 16>, scalar_prefetch = 0 : i64, scratch_operands = 3 : i64, tpu.core_type = #tpu.core_type<sc_vector_subcore>, window_params = [{transform_indices = #map}, {transform_indices = #map1}, {transform_indices = #map1}, {transform_indices = #map1}, {transform_indices = #map1}]} {
    %mul3A = arith.constant 16 : i32
    %mul3A_0 = arith.muli %arg0, %mul3A : i32
    %add3A = arith.addi %mul3A_0, %arg1 : i32
    %mul3A_1 = arith.constant 632 : i32
    %mul3A_2 = arith.muli %arg1, %mul3A_1 : i32
    "tpu.region"() ({
      %run_scoped3A_16 = tpu.sem_alloc : memref<!tpu.dma_semaphore, #tpu.memory_space<semaphore_mem>>
      %dma_start3A = arith.constant 0 : i32
      %dma_start3A_17 = tpu.memref_slice %arg9[%mul3A_2, %dma_start3A] : memref<10112x8xf32, #tpu.memory_space<vmem_shared>> -> memref<632x8xf32, #tpu.memory_space<vmem_shared>>
      %dma_start3A_18 = arith.constant 0 : i32
      %dma_start3A_19 = tpu.memref_slice %arg3[%mul3A_2, %dma_start3A_18] : memref<10112x8xf32, #tpu.memory_space<hbm>> -> memref<632x8xf32, #tpu.memory_space<hbm>>
      tpu.enqueue_dma source(%dma_start3A_19 : memref<632x8xf32, #tpu.memory_space<hbm>>) target(%dma_start3A_17 : memref<632x8xf32, #tpu.memory_space<vmem_shared>>) target_semaphore(%run_scoped3A_16 : memref<!tpu.dma_semaphore, #tpu.memory_space<semaphore_mem>>)
      %dma_wait3A = arith.constant 0 : i32
      %dma_wait3A_20 = tpu.memref_slice %arg9[%mul3A_2, %dma_wait3A] : memref<10112x8xf32, #tpu.memory_space<vmem_shared>> -> memref<632x8xf32, #tpu.memory_space<vmem_shared>>
      %dma_wait3A_21 = arith.constant 0 : i32
      %dma_wait3A_22 = tpu.memref_slice %arg3[%mul3A_2, %dma_wait3A_21] : memref<10112x8xf32, #tpu.memory_space<hbm>> -> memref<632x8xf32, #tpu.memory_space<hbm>>
      tpu.wait_dma2 semaphore(%run_scoped3A_16 : memref<!tpu.dma_semaphore, #tpu.memory_space<semaphore_mem>>) src(%dma_wait3A_22 : memref<632x8xf32, #tpu.memory_space<hbm>>) dst(%dma_wait3A_20 : memref<632x8xf32, #tpu.memory_space<vmem_shared>>)
      tpu.yield
    }) : () -> ()
    %run_scoped3A = arith.constant 1 : i32
    "tpu.region"() ({
      %run_scoped3A_16 = tpu.sem_alloc : memref<!tpu.dma_semaphore, #tpu.memory_space<semaphore_mem>>
      %dma_start3A = arith.constant 0 : i32
      %dma_start3A_17 = arith.constant 0 : i32
      %dma_start3A_18 = tpu.memref_slice %arg2[%run_scoped3A, %add3A, %dma_start3A, %dma_start3A_17] : memref<2x32x125x80xi32, #tpu.memory_space<hbm>> -> memref<1x1x125x80xi32, #tpu.memory_space<hbm>>
      %dma_start3A_19 = tpu.memref_squeeze %dma_start3A_18 : memref<1x1x125x80xi32, #tpu.memory_space<hbm>> -> memref<125x80xi32, #tpu.memory_space<hbm>>
      %dma_start3A_20 = arith.constant 0 : i32
      %dma_start3A_21 = arith.constant 0 : i32
      %dma_start3A_22 = tpu.memref_slice %arg2[%run_scoped3A, %add3A, %dma_start3A_20, %dma_start3A_21] : memref<2x32x125x80xi32, #tpu.memory_space<hbm>> -> memref<1x1x125x80xi32, #tpu.memory_space<hbm>>
      %dma_start3A_23 = tpu.memref_squeeze %dma_start3A_22 : memref<1x1x125x80xi32, #tpu.memory_space<hbm>> -> memref<125x80xi32, #tpu.memory_space<hbm>>
      tpu.enqueue_dma source(%dma_start3A_23 : memref<125x80xi32, #tpu.memory_space<hbm>>) target(%arg7 : memref<125x80xi32, #tpu.memory_space<vmem>>) target_semaphore(%run_scoped3A_16 : memref<!tpu.dma_semaphore, #tpu.memory_space<semaphore_mem>>)
      %dma_wait3A = arith.constant 0 : i32
      %dma_wait3A_24 = arith.constant 0 : i32
      %dma_wait3A_25 = tpu.memref_slice %arg2[%run_scoped3A, %add3A, %dma_wait3A, %dma_wait3A_24] : memref<2x32x125x80xi32, #tpu.memory_space<hbm>> -> memref<1x1x125x80xi32, #tpu.memory_space<hbm>>
      %dma_wait3A_26 = tpu.memref_squeeze %dma_wait3A_25 : memref<1x1x125x80xi32, #tpu.memory_space<hbm>> -> memref<125x80xi32, #tpu.memory_space<hbm>>
      %dma_wait3A_27 = arith.constant 0 : i32
      %dma_wait3A_28 = arith.constant 0 : i32
      %dma_wait3A_29 = tpu.memref_slice %arg2[%run_scoped3A, %add3A, %dma_wait3A_27, %dma_wait3A_28] : memref<2x32x125x80xi32, #tpu.memory_space<hbm>> -> memref<1x1x125x80xi32, #tpu.memory_space<hbm>>
      %dma_wait3A_30 = tpu.memref_squeeze %dma_wait3A_29 : memref<1x1x125x80xi32, #tpu.memory_space<hbm>> -> memref<125x80xi32, #tpu.memory_space<hbm>>
      tpu.wait_dma2 semaphore(%run_scoped3A_16 : memref<!tpu.dma_semaphore, #tpu.memory_space<semaphore_mem>>) src(%dma_wait3A_30 : memref<125x80xi32, #tpu.memory_space<hbm>>) dst(%arg7 : memref<125x80xi32, #tpu.memory_space<vmem>>)
      tpu.yield
    }) : () -> ()
    "tpu.region"() ({
      %run_scoped3A_16 = tpu.sem_alloc : memref<!tpu.dma_semaphore, #tpu.memory_space<semaphore_mem>>
      tpu.enqueue_dma source(%arg4 : memref<80x8xf32, #tpu.memory_space<hbm>>) target(%arg8 : memref<80x8xf32, #tpu.memory_space<vmem>>) target_semaphore(%run_scoped3A_16 : memref<!tpu.dma_semaphore, #tpu.memory_space<semaphore_mem>>)
      tpu.wait_dma2 semaphore(%run_scoped3A_16 : memref<!tpu.dma_semaphore, #tpu.memory_space<semaphore_mem>>) src(%arg4 : memref<80x8xf32, #tpu.memory_space<hbm>>) dst(%arg8 : memref<80x8xf32, #tpu.memory_space<vmem>>)
      tpu.yield
    }) : () -> ()
    %barrier3A = arith.constant 0 : index
    tpu.barrier barrier_id(%barrier3A)
    %scan3A = arith.constant 0 : i32
    %scan3A_3 = arith.constant 0 : i32
    %scan3A_4 = arith.constant 125 : i32
    %scan3A_5 = arith.addi %scan3A_3, %scan3A_4 : i32
    %scan3A_6 = arith.constant 1 : i32
    scf.for %scan3A_16 = %scan3A_3 to %scan3A_5 step %scan3A_6  : i32 {
      "tpu.region"() ({
        %run_scoped3A_17 = tpu.sem_alloc : memref<!tpu.dma_semaphore, #tpu.memory_space<semaphore_mem>>
        %dma_start3A = arith.constant 0 : i32
        %dma_start3A_18 = tpu.memref_slice %arg7[%scan3A_16, %dma_start3A] : memref<125x80xi32, #tpu.memory_space<vmem>> -> memref<1x80xi32, #tpu.memory_space<vmem>>
        %dma_start3A_19 = tpu.memref_squeeze %dma_start3A_18 : memref<1x80xi32, #tpu.memory_space<vmem>> -> memref<80xi32, #tpu.memory_space<vmem>>
        %dma_start3A_20 = arith.constant 0 : i32
        %dma_start3A_21 = arith.constant 0 : i32
        %dma_start3A_22 = tpu.memref_slice %arg9[%dma_start3A_20, %dma_start3A_21] : memref<10112x8xf32, #tpu.memory_space<vmem_shared>> -> memref<10112x8xf32, #tpu.memory_space<vmem_shared>>
        tpu.enqueue_indirect_dma source(%arg8 : memref<80x8xf32, #tpu.memory_space<vmem>>) target(%dma_start3A_22 : memref<10112x8xf32, #tpu.memory_space<vmem_shared>>) offsets(%dma_start3A_19 : memref<80xi32, #tpu.memory_space<vmem>>) semaphore(%run_scoped3A_17 : memref<!tpu.dma_semaphore, #tpu.memory_space<semaphore_mem>>) {add = true}
        %dma_wait3A = arith.constant 0 : i32
        %dma_wait3A_23 = tpu.memref_slice %arg7[%scan3A_16, %dma_wait3A] : memref<125x80xi32, #tpu.memory_space<vmem>> -> memref<1x80xi32, #tpu.memory_space<vmem>>
        %dma_wait3A_24 = tpu.memref_squeeze %dma_wait3A_23 : memref<1x80xi32, #tpu.memory_space<vmem>> -> memref<80xi32, #tpu.memory_space<vmem>>
        %dma_wait3A_25 = arith.constant 0 : i32
        %dma_wait3A_26 = arith.constant 0 : i32
        %dma_wait3A_27 = tpu.memref_slice %arg9[%dma_wait3A_25, %dma_wait3A_26] : memref<10112x8xf32, #tpu.memory_space<vmem_shared>> -> memref<10112x8xf32, #tpu.memory_space<vmem_shared>>
        tpu.wait_indirect_dma semaphore(%run_scoped3A_17 : memref<!tpu.dma_semaphore, #tpu.memory_space<semaphore_mem>>) src(%arg8 : memref<80x8xf32, #tpu.memory_space<vmem>>) dst(%dma_wait3A_27 : memref<10112x8xf32, #tpu.memory_space<vmem_shared>>)
        tpu.yield
      }) : () -> ()
    }
    %scan3A_7 = arith.constant 125 : i32
    %barrier3A_8 = arith.constant 0 : index
    tpu.barrier barrier_id(%barrier3A_8)
    %eq3A = arith.constant 0 : i32
    %eq3A_9 = arith.cmpi eq, %arg0, %eq3A : i32
    %convert_element_type3A = arith.extui %eq3A_9 : i1 to i32
    %cond3A = arith.constant 0 : i32
    %cond3A_10 = arith.cmpi ne, %convert_element_type3A, %cond3A : i32
    scf.if %cond3A_10 {
      "tpu.region"() ({
        %run_scoped3A_16 = tpu.sem_alloc : memref<!tpu.dma_semaphore, #tpu.memory_space<semaphore_mem>>
        %dma_start3A = arith.constant 0 : i32
        %dma_start3A_17 = tpu.memref_slice %arg5[%mul3A_2, %dma_start3A] : memref<10112x8xf32, #tpu.memory_space<hbm>> -> memref<632x8xf32, #tpu.memory_space<hbm>>
        %dma_start3A_18 = arith.constant 0 : i32
        %dma_start3A_19 = tpu.memref_slice %arg9[%mul3A_2, %dma_start3A_18] : memref<10112x8xf32, #tpu.memory_space<vmem_shared>> -> memref<632x8xf32, #tpu.memory_space<vmem_shared>>
        tpu.enqueue_dma source(%dma_start3A_19 : memref<632x8xf32, #tpu.memory_space<vmem_shared>>) target(%dma_start3A_17 : memref<632x8xf32, #tpu.memory_space<hbm>>) target_semaphore(%run_scoped3A_16 : memref<!tpu.dma_semaphore, #tpu.memory_space<semaphore_mem>>)
        %dma_wait3A = arith.constant 0 : i32
        %dma_wait3A_20 = tpu.memref_slice %arg5[%mul3A_2, %dma_wait3A] : memref<10112x8xf32, #tpu.memory_space<hbm>> -> memref<632x8xf32, #tpu.memory_space<hbm>>
        %dma_wait3A_21 = arith.constant 0 : i32
        %dma_wait3A_22 = tpu.memref_slice %arg9[%mul3A_2, %dma_wait3A_21] : memref<10112x8xf32, #tpu.memory_space<vmem_shared>> -> memref<632x8xf32, #tpu.memory_space<vmem_shared>>
        tpu.wait_dma2 semaphore(%run_scoped3A_16 : memref<!tpu.dma_semaphore, #tpu.memory_space<semaphore_mem>>) src(%dma_wait3A_22 : memref<632x8xf32, #tpu.memory_space<vmem_shared>>) dst(%dma_wait3A_20 : memref<632x8xf32, #tpu.memory_space<hbm>>)
        tpu.yield
      }) : () -> ()
    } else {
    }
    %eq3A_11 = arith.constant 1 : i32
    %eq3A_12 = arith.cmpi eq, %arg0, %eq3A_11 : i32
    %convert_element_type3A_13 = arith.extui %eq3A_12 : i1 to i32
    %cond3A_14 = arith.constant 0 : i32
    %cond3A_15 = arith.cmpi ne, %convert_element_type3A_13, %cond3A_14 : i32
    scf.if %cond3A_15 {
      "tpu.region"() ({
        %run_scoped3A_16 = tpu.sem_alloc : memref<!tpu.dma_semaphore, #tpu.memory_space<semaphore_mem>>
        %dma_start3A = arith.constant 0 : i32
        %dma_start3A_17 = tpu.memref_slice %arg6[%mul3A_2, %dma_start3A] : memref<10112x8xf32, #tpu.memory_space<hbm>> -> memref<632x8xf32, #tpu.memory_space<hbm>>
        %dma_start3A_18 = arith.constant 0 : i32
        %dma_start3A_19 = tpu.memref_slice %arg9[%mul3A_2, %dma_start3A_18] : memref<10112x8xf32, #tpu.memory_space<vmem_shared>> -> memref<632x8xf32, #tpu.memory_space<vmem_shared>>
        tpu.enqueue_dma source(%dma_start3A_19 : memref<632x8xf32, #tpu.memory_space<vmem_shared>>) target(%dma_start3A_17 : memref<632x8xf32, #tpu.memory_space<hbm>>) target_semaphore(%run_scoped3A_16 : memref<!tpu.dma_semaphore, #tpu.memory_space<semaphore_mem>>)
        %dma_wait3A = arith.constant 0 : i32
        %dma_wait3A_20 = tpu.memref_slice %arg6[%mul3A_2, %dma_wait3A] : memref<10112x8xf32, #tpu.memory_space<hbm>> -> memref<632x8xf32, #tpu.memory_space<hbm>>
        %dma_wait3A_21 = arith.constant 0 : i32
        %dma_wait3A_22 = tpu.memref_slice %arg9[%mul3A_2, %dma_wait3A_21] : memref<10112x8xf32, #tpu.memory_space<vmem_shared>> -> memref<632x8xf32, #tpu.memory_space<vmem_shared>>
        tpu.wait_dma2 semaphore(%run_scoped3A_16 : memref<!tpu.dma_semaphore, #tpu.memory_space<semaphore_mem>>) src(%dma_wait3A_22 : memref<632x8xf32, #tpu.memory_space<vmem_shared>>) dst(%dma_wait3A_20 : memref<632x8xf32, #tpu.memory_space<hbm>>)
        tpu.yield
      }) : () -> ()
    } else {
    }
    return
  }
}

module attributes {stable_mosaic.version = 14 : i64} {
  func.func @_proj1_body(%arg0: memref<10000x128xf32, #tpu.memory_space<vmem>>, %arg1: memref<128x32xf32, #tpu.memory_space<vmem>>, %arg2: memref<1x32xf32, #tpu.memory_space<vmem>>, %arg3: memref<32x32xf32, #tpu.memory_space<vmem>>, %arg4: memref<32x32xf32, #tpu.memory_space<vmem>>, %arg5: memref<1x32xf32, #tpu.memory_space<vmem>>, %arg6: memref<32x32xf32, #tpu.memory_space<vmem>>, %arg7: memref<1x32xf32, #tpu.memory_space<vmem>>, %arg8: memref<32x32xf32, #tpu.memory_space<vmem>>, %arg9: memref<1x32xf32, #tpu.memory_space<vmem>>, %arg10: memref<10000x32xbf16, #tpu.memory_space<vmem>>, %arg11: memref<10000x32xf32, #tpu.memory_space<vmem>>, %arg12: memref<10000x32xbf16, #tpu.memory_space<vmem>>, %arg13: memref<10000x32xbf16, #tpu.memory_space<vmem>>, %arg14: memref<10000x33xbf16, #tpu.memory_space<vmem>>) attributes {dimension_semantics = [], scalar_prefetch = 0 : i64, scratch_operands = 0 : i64, tpu.core_type = #tpu.core_type<tc>} {
    %get3A = arith.constant 0 : index
    %get3A_0 = arith.constant 0 : index
    %get3A_1 = vector.load %arg0[%get3A, %get3A_0] : memref<10000x128xf32, #tpu.memory_space<vmem>>, vector<10000x128xf32>
    %get3A_2 = arith.constant 0 : index
    %get3A_3 = arith.constant 0 : index
    %get3A_4 = vector.load %arg1[%get3A_2, %get3A_3] : memref<128x32xf32, #tpu.memory_space<vmem>>, vector<128x32xf32>
    %dot_general3A = arith.constant dense<0.000000e+00> : vector<10000x32xf32>
    %dot_general3A_5 = tpu.matmul %get3A_1, %get3A_4, %dot_general3A {dimension_numbers = #tpu.dot_dimension_numbers<[1], [0], [0], [1], [0, 0, 1, 1], [], []>, transpose_lhs_hint = false} : vector<10000x128xf32>, vector<128x32xf32>, vector<10000x32xf32> -> vector<10000x32xf32>
    %get3A_6 = arith.constant 0 : index
    %get3A_7 = arith.constant 0 : index
    %get3A_8 = vector.load %arg2[%get3A_6, %get3A_7] : memref<1x32xf32, #tpu.memory_space<vmem>>, vector<1x32xf32>
    %add3A = vector.broadcast %get3A_8 : vector<1x32xf32> to vector<10000x32xf32>
    %add3A_9 = arith.addf %dot_general3A_5, %add3A : vector<10000x32xf32>
    %convert_element_type3A = arith.truncf %add3A_9 : vector<10000x32xf32> to vector<10000x32xbf16>
    %swap3A = arith.constant 0 : index
    %swap3A_10 = arith.constant 0 : index
    %swap3A_11 = vector.load %arg10[%swap3A, %swap3A_10] : memref<10000x32xbf16, #tpu.memory_space<vmem>>, vector<10000x32xbf16>
    tpu.vector_store %arg10[%swap3A, %swap3A_10], %convert_element_type3A {strides = array<i32>} : memref<10000x32xbf16, #tpu.memory_space<vmem>>, vector<10000x32xbf16>,
    %get3A_12 = arith.constant 0 : index
    %get3A_13 = arith.constant 0 : index
    %get3A_14 = vector.load %arg3[%get3A_12, %get3A_13] : memref<32x32xf32, #tpu.memory_space<vmem>>, vector<32x32xf32>
    %dot_general3A_15 = arith.constant dense<0.000000e+00> : vector<10000x32xf32>
    %dot_general3A_16 = tpu.matmul %add3A_9, %get3A_14, %dot_general3A_15 {dimension_numbers = #tpu.dot_dimension_numbers<[1], [0], [0], [1], [0, 0, 1, 1], [], []>, transpose_lhs_hint = false} : vector<10000x32xf32>, vector<32x32xf32>, vector<10000x32xf32> -> vector<10000x32xf32>
    %swap3A_17 = arith.constant 0 : index
    %swap3A_18 = arith.constant 0 : index
    %swap3A_19 = vector.load %arg11[%swap3A_17, %swap3A_18] : memref<10000x32xf32, #tpu.memory_space<vmem>>, vector<10000x32xf32>
    tpu.vector_store %arg11[%swap3A_17, %swap3A_18], %dot_general3A_16 {strides = array<i32>} : memref<10000x32xf32, #tpu.memory_space<vmem>>, vector<10000x32xf32>,
    %get3A_20 = arith.constant 0 : index
    %get3A_21 = arith.constant 0 : index
    %get3A_22 = vector.load %arg4[%get3A_20, %get3A_21] : memref<32x32xf32, #tpu.memory_space<vmem>>, vector<32x32xf32>
    %dot_general3A_23 = arith.constant dense<0.000000e+00> : vector<10000x32xf32>
    %dot_general3A_24 = tpu.matmul %add3A_9, %get3A_22, %dot_general3A_23 {dimension_numbers = #tpu.dot_dimension_numbers<[1], [0], [0], [1], [0, 0, 1, 1], [], []>, transpose_lhs_hint = false} : vector<10000x32xf32>, vector<32x32xf32>, vector<10000x32xf32> -> vector<10000x32xf32>
    %get3A_25 = arith.constant 0 : index
    %get3A_26 = arith.constant 0 : index
    %get3A_27 = vector.load %arg5[%get3A_25, %get3A_26] : memref<1x32xf32, #tpu.memory_space<vmem>>, vector<1x32xf32>
    %add3A_28 = vector.broadcast %get3A_27 : vector<1x32xf32> to vector<10000x32xf32>
    %add3A_29 = arith.addf %dot_general3A_24, %add3A_28 : vector<10000x32xf32>
    %mul3A = arith.constant 0.255034864 : f32
    %mul3A_30 = vector.broadcast %mul3A : f32 to vector<10000x32xf32>
    %mul3A_31 = arith.mulf %add3A_29, %mul3A_30 : vector<10000x32xf32>
    %convert_element_type3A_32 = arith.truncf %mul3A_31 : vector<10000x32xf32> to vector<10000x32xbf16>
    %swap3A_33 = arith.constant 0 : index
    %swap3A_34 = arith.constant 0 : index
    %swap3A_35 = vector.load %arg12[%swap3A_33, %swap3A_34] : memref<10000x32xbf16, #tpu.memory_space<vmem>>, vector<10000x32xbf16>
    tpu.vector_store %arg12[%swap3A_33, %swap3A_34], %convert_element_type3A_32 {strides = array<i32>} : memref<10000x32xbf16, #tpu.memory_space<vmem>>, vector<10000x32xbf16>,
    %get3A_36 = arith.constant 0 : index
    %get3A_37 = arith.constant 0 : index
    %get3A_38 = vector.load %arg6[%get3A_36, %get3A_37] : memref<32x32xf32, #tpu.memory_space<vmem>>, vector<32x32xf32>
    %dot_general3A_39 = arith.constant dense<0.000000e+00> : vector<10000x32xf32>
    %dot_general3A_40 = tpu.matmul %add3A_9, %get3A_38, %dot_general3A_39 {dimension_numbers = #tpu.dot_dimension_numbers<[1], [0], [0], [1], [0, 0, 1, 1], [], []>, transpose_lhs_hint = false} : vector<10000x32xf32>, vector<32x32xf32>, vector<10000x32xf32> -> vector<10000x32xf32>
    %get3A_41 = arith.constant 0 : index
    %get3A_42 = arith.constant 0 : index
    %get3A_43 = vector.load %arg7[%get3A_41, %get3A_42] : memref<1x32xf32, #tpu.memory_space<vmem>>, vector<1x32xf32>
    %add3A_44 = vector.broadcast %get3A_43 : vector<1x32xf32> to vector<10000x32xf32>
    %add3A_45 = arith.addf %dot_general3A_40, %add3A_44 : vector<10000x32xf32>
    %get3A_46 = arith.constant 0 : index
    %get3A_47 = arith.constant 0 : index
    %get3A_48 = vector.load %arg8[%get3A_46, %get3A_47] : memref<32x32xf32, #tpu.memory_space<vmem>>, vector<32x32xf32>
    %dot_general3A_49 = arith.constant dense<0.000000e+00> : vector<10000x32xf32>
    %dot_general3A_50 = tpu.matmul %add3A_9, %get3A_48, %dot_general3A_49 {dimension_numbers = #tpu.dot_dimension_numbers<[1], [0], [0], [1], [0, 0, 1, 1], [], []>, transpose_lhs_hint = false} : vector<10000x32xf32>, vector<32x32xf32>, vector<10000x32xf32> -> vector<10000x32xf32>
    %get3A_51 = arith.constant 0 : index
    %get3A_52 = arith.constant 0 : index
    %get3A_53 = vector.load %arg9[%get3A_51, %get3A_52] : memref<1x32xf32, #tpu.memory_space<vmem>>, vector<1x32xf32>
    %add3A_54 = vector.broadcast %get3A_53 : vector<1x32xf32> to vector<10000x32xf32>
    %add3A_55 = arith.addf %dot_general3A_50, %add3A_54 : vector<10000x32xf32>
    %convert_element_type3A_56 = arith.truncf %add3A_45 : vector<10000x32xf32> to vector<10000x32xbf16>
    %swap3A_57 = arith.constant 0 : index
    %swap3A_58 = arith.constant 0 : index
    %swap3A_59 = vector.load %arg13[%swap3A_57, %swap3A_58] : memref<10000x32xbf16, #tpu.memory_space<vmem>>, vector<10000x32xbf16>
    tpu.vector_store %arg13[%swap3A_57, %swap3A_58], %convert_element_type3A_56 {strides = array<i32>} : memref<10000x32xbf16, #tpu.memory_space<vmem>>, vector<10000x32xbf16>,
    %broadcast_in_dim3A = arith.constant 1.000000e+00 : f32
    %broadcast_in_dim3A_60 = vector.broadcast %broadcast_in_dim3A : f32 to vector<10000x1xf32>
    %concatenate3A = tpu.concatenate %add3A_55, %broadcast_in_dim3A_60 in 1 : vector<10000x32xf32>, vector<10000x1xf32> -> vector<10000x33xf32>
    %convert_element_type3A_61 = arith.truncf %concatenate3A : vector<10000x33xf32> to vector<10000x33xbf16>
    %swap3A_62 = arith.constant 0 : index
    %swap3A_63 = arith.constant 0 : index
    %swap3A_64 = vector.load %arg14[%swap3A_62, %swap3A_63] : memref<10000x33xbf16, #tpu.memory_space<vmem>>, vector<10000x33xbf16>
    tpu.vector_store %arg14[%swap3A_62, %swap3A_63], %convert_element_type3A_61 {strides = array<i32>} : memref<10000x33xbf16, #tpu.memory_space<vmem>>, vector<10000x33xbf16>,
    return
  }
}

module attributes {stable_mosaic.version = 14 : i64} {
  func.func @_proj2_body(%arg0: memref<10000x32xf32, #tpu.memory_space<vmem>>, %arg1: memref<10112x8xf32, #tpu.memory_space<vmem>>, %arg2: memref<10112x8xf32, #tpu.memory_space<vmem>>, %arg3: memref<10000x32xf32, #tpu.memory_space<vmem>>) attributes {dimension_semantics = [], scalar_prefetch = 0 : i64, scratch_operands = 0 : i64, tpu.core_type = #tpu.core_type<tc>} {
    %get3A = arith.constant 0 : index
    %get3A_0 = arith.constant 0 : index
    %get3A_1 = vector.load %arg1[%get3A, %get3A_0] : memref<10112x8xf32, #tpu.memory_space<vmem>>, vector<10000x1xf32>
    %get3A_2 = arith.constant 0 : index
    %get3A_3 = arith.constant 0 : index
    %get3A_4 = vector.load %arg2[%get3A_2, %get3A_3] : memref<10112x8xf32, #tpu.memory_space<vmem>>, vector<10000x1xf32>
    %add3A = arith.addf %get3A_1, %get3A_4 : vector<10000x1xf32>
    %add3A_5 = arith.constant 1.000000e+00 : f32
    %add3A_6 = vector.broadcast %add3A_5 : f32 to vector<10000x1xf32>
    %add3A_7 = arith.addf %add3A, %add3A_6 : vector<10000x1xf32>
    %get3A_8 = arith.constant 0 : index
    %get3A_9 = arith.constant 0 : index
    %get3A_10 = vector.load %arg0[%get3A_8, %get3A_9] : memref<10000x32xf32, #tpu.memory_space<vmem>>, vector<10000x32xf32>
    %rsqrt3A = math.rsqrt %add3A_7 : vector<10000x1xf32>
    %mul3A = vector.broadcast %rsqrt3A : vector<10000x1xf32> to vector<10000x32xf32>
    %mul3A_11 = arith.mulf %get3A_10, %mul3A : vector<10000x32xf32>
    %swap3A = arith.constant 0 : index
    %swap3A_12 = arith.constant 0 : index
    %swap3A_13 = vector.load %arg3[%swap3A, %swap3A_12] : memref<10000x32xf32, #tpu.memory_space<vmem>>, vector<10000x32xf32>
    tpu.vector_store %arg3[%swap3A, %swap3A_12], %mul3A_11 {strides = array<i32>} : memref<10000x32xf32, #tpu.memory_space<vmem>>, vector<10000x32xf32>,
    return
  }
}

module attributes {stable_mosaic.version = 14 : i64} {
  func.func @_att_body(%arg0: i32, %arg1: memref<400x32xbf16, #tpu.memory_space<vmem>>, %arg2: memref<10000x32xbf16, #tpu.memory_space<vmem>>, %arg3: memref<10000x33xbf16, #tpu.memory_space<vmem>>, %arg4: memref<32x32xf32, #tpu.memory_space<vmem>>, %arg5: memref<1x32xf32, #tpu.memory_space<vmem>>, %arg6: memref<400x32xbf16, #tpu.memory_space<vmem>>, %arg7: memref<400x32xbf16, #tpu.memory_space<vmem>>) attributes {dimension_semantics = [#tpu.dimension_semantics<arbitrary>], iteration_bounds = array<i64: 25>, scalar_prefetch = 0 : i64, scratch_operands = 0 : i64, tpu.core_type = #tpu.core_type<tc>, window_params = [{transform_indices = @transform_0, window_bounds = array<i64: 400, 32>}, {pipeline_mode = #tpu.pipeline_mode<synchronous>, transform_indices = @transform_1, window_bounds = array<i64: 10000, 32>}, {pipeline_mode = #tpu.pipeline_mode<synchronous>, transform_indices = @transform_2, window_bounds = array<i64: 10000, 33>}, {pipeline_mode = #tpu.pipeline_mode<synchronous>, transform_indices = @transform_3, window_bounds = array<i64: 32, 32>}, {pipeline_mode = #tpu.pipeline_mode<synchronous>, transform_indices = @transform_4, window_bounds = array<i64: 1, 32>}, {transform_indices = @transform_5, window_bounds = array<i64: 400, 32>}, {transform_indices = @transform_6, window_bounds = array<i64: 400, 32>}]} {
    %get3A = arith.constant 0 : index
    %get3A_0 = arith.constant 0 : index
    %get3A_1 = vector.load %arg1[%get3A, %get3A_0] : memref<400x32xbf16, #tpu.memory_space<vmem>>, vector<400x32xbf16>
    %get3A_2 = arith.constant 0 : index
    %get3A_3 = arith.constant 0 : index
    %get3A_4 = vector.load %arg2[%get3A_2, %get3A_3] : memref<10000x32xbf16, #tpu.memory_space<vmem>>, vector<10000x32xbf16>
    %dot_general3A = arith.constant dense<0.000000e+00> : vector<400x10000xf32>
    %dot_general3A_5 = tpu.matmul %get3A_1, %get3A_4, %dot_general3A {dimension_numbers = #tpu.dot_dimension_numbers<[1], [1], [0], [0], [0, 0, 1, 0], [], []>, transpose_lhs_hint = false} : vector<400x32xbf16>, vector<10000x32xbf16>, vector<400x10000xf32> -> vector<400x10000xf32>
    %exp23A = math.exp2 %dot_general3A_5 : vector<400x10000xf32>
    %convert_element_type3A = arith.truncf %exp23A : vector<400x10000xf32> to vector<400x10000xbf16>
    %get3A_6 = arith.constant 0 : index
    %get3A_7 = arith.constant 0 : index
    %get3A_8 = vector.load %arg3[%get3A_6, %get3A_7] : memref<10000x33xbf16, #tpu.memory_space<vmem>>, vector<10000x33xbf16>
    %dot_general3A_9 = arith.constant dense<0.000000e+00> : vector<400x33xf32>
    %dot_general3A_10 = tpu.matmul %convert_element_type3A, %get3A_8, %dot_general3A_9 {dimension_numbers = #tpu.dot_dimension_numbers<[1], [0], [0], [1], [0, 0, 1, 1], [], []>, transpose_lhs_hint = false} : vector<400x10000xbf16>, vector<10000x33xbf16>, vector<400x33xf32> -> vector<400x33xf32>
    %slice3A = vector.extract_strided_slice %dot_general3A_10 {offsets = [0, 0], sizes = [400, 32], strides = [1, 1]} : vector<400x33xf32> to vector<400x32xf32>
    %slice3A_11 = vector.extract_strided_slice %dot_general3A_10 {offsets = [0, 32], sizes = [400, 1], strides = [1, 1]} : vector<400x33xf32> to vector<400x1xf32>
    %div3A = vector.broadcast %slice3A_11 : vector<400x1xf32> to vector<400x32xf32>
    %div3A_12 = arith.divf %slice3A, %div3A : vector<400x32xf32>
    %get3A_13 = arith.constant 0 : index
    %get3A_14 = arith.constant 0 : index
    %get3A_15 = vector.load %arg4[%get3A_13, %get3A_14] : memref<32x32xf32, #tpu.memory_space<vmem>>, vector<32x32xf32>
    %dot_general3A_16 = arith.constant dense<0.000000e+00> : vector<400x32xf32>
    %dot_general3A_17 = tpu.matmul %div3A_12, %get3A_15, %dot_general3A_16 {dimension_numbers = #tpu.dot_dimension_numbers<[1], [0], [0], [1], [0, 0, 1, 1], [], []>, transpose_lhs_hint = false} : vector<400x32xf32>, vector<32x32xf32>, vector<400x32xf32> -> vector<400x32xf32>
    %get3A_18 = arith.constant 0 : index
    %get3A_19 = arith.constant 0 : index
    %get3A_20 = vector.load %arg5[%get3A_18, %get3A_19] : memref<1x32xf32, #tpu.memory_space<vmem>>, vector<1x32xf32>
    %add3A = vector.broadcast %get3A_20 : vector<1x32xf32> to vector<400x32xf32>
    %add3A_21 = arith.addf %dot_general3A_17, %add3A : vector<400x32xf32>
    %get3A_22 = arith.constant 0 : index
    %get3A_23 = arith.constant 0 : index
    %get3A_24 = vector.load %arg6[%get3A_22, %get3A_23] : memref<400x32xbf16, #tpu.memory_space<vmem>>, vector<400x32xbf16>
    %convert_element_type3A_25 = arith.extf %get3A_24 : vector<400x32xbf16> to vector<400x32xf32>
    %add3A_26 = arith.addf %add3A_21, %convert_element_type3A_25 : vector<400x32xf32>
    %convert_element_type3A_27 = arith.truncf %add3A_26 : vector<400x32xf32> to vector<400x32xbf16>
    %swap3A = arith.constant 0 : index
    %swap3A_28 = arith.constant 0 : index
    %swap3A_29 = vector.load %arg7[%swap3A, %swap3A_28] : memref<400x32xbf16, #tpu.memory_space<vmem>>, vector<400x32xbf16>
    tpu.vector_store %arg7[%swap3A, %swap3A_28], %convert_element_type3A_27 {strides = array<i32>} : memref<400x32xbf16, #tpu.memory_space<vmem>>, vector<400x32xbf16>,
    return
  }
  func.func @transform_0(%arg0: i32) -> (i32, i32) {
    %c0_i32 = arith.constant 0 : i32
    %c0_i32_0 = arith.constant 0 : i32
    return %arg0, %c0_i32 : i32, i32
  }
  func.func @transform_1(%arg0: i32) -> (i32, i32) {
    %c0_i32 = arith.constant 0 : i32
    %c0_i32_0 = arith.constant 0 : i32
    %c0_i32_1 = arith.constant 0 : i32
    return %c0_i32, %c0_i32_0 : i32, i32
  }
  func.func @transform_2(%arg0: i32) -> (i32, i32) {
    %c0_i32 = arith.constant 0 : i32
    %c0_i32_0 = arith.constant 0 : i32
    %c0_i32_1 = arith.constant 0 : i32
    return %c0_i32, %c0_i32_0 : i32, i32
  }
  func.func @transform_3(%arg0: i32) -> (i32, i32) {
    %c0_i32 = arith.constant 0 : i32
    %c0_i32_0 = arith.constant 0 : i32
    %c0_i32_1 = arith.constant 0 : i32
    return %c0_i32, %c0_i32_0 : i32, i32
  }
  func.func @transform_4(%arg0: i32) -> (i32, i32) {
    %c0_i32 = arith.constant 0 : i32
    %c0_i32_0 = arith.constant 0 : i32
    %c0_i32_1 = arith.constant 0 : i32
    return %c0_i32, %c0_i32_0 : i32, i32
  }
  func.func @transform_5(%arg0: i32) -> (i32, i32) {
    %c0_i32 = arith.constant 0 : i32
    %c0_i32_0 = arith.constant 0 : i32
    return %arg0, %c0_i32 : i32, i32
  }
  func.func @transform_6(%arg0: i32) -> (i32, i32) {
    %c0_i32 = arith.constant 0 : i32
    %c0_i32_0 = arith.constant 0 : i32
    return %arg0, %c0_i32 : i32, i32
  }
}

module attributes {stable_mosaic.version = 14 : i64} {
  func.func @_fuse_body(%arg0: memref<10000x32xbf16, #tpu.memory_space<vmem>>, %arg1: memref<10112x32xf32, #tpu.memory_space<vmem>>, %arg2: memref<10112x32xf32, #tpu.memory_space<vmem>>, %arg3: memref<10112x8xf32, #tpu.memory_space<vmem>>, %arg4: memref<10112x8xf32, #tpu.memory_space<vmem>>, %arg5: memref<10000x32xf32, #tpu.memory_space<vmem>>, %arg6: memref<10000x32xbf16, #tpu.memory_space<vmem>>, %arg7: memref<1x32xf32, #tpu.memory_space<vmem>>, %arg8: memref<1x32xf32, #tpu.memory_space<vmem>>, %arg9: memref<1x32xf32, #tpu.memory_space<vmem>>, %arg10: memref<1x32xf32, #tpu.memory_space<vmem>>, %arg11: memref<1x32xf32, #tpu.memory_space<vmem>>, %arg12: memref<32x64xf32, #tpu.memory_space<vmem>>, %arg13: memref<1x64xf32, #tpu.memory_space<vmem>>, %arg14: memref<64x32xf32, #tpu.memory_space<vmem>>, %arg15: memref<1x32xf32, #tpu.memory_space<vmem>>, %arg16: memref<1x32xf32, #tpu.memory_space<vmem>>, %arg17: memref<1x32xf32, #tpu.memory_space<vmem>>, %arg18: memref<32x40xf32, #tpu.memory_space<vmem>>, %arg19: memref<1x40xf32, #tpu.memory_space<vmem>>, %arg20: memref<10000x40xf32, #tpu.memory_space<vmem>>) attributes {dimension_semantics = [], scalar_prefetch = 0 : i64, scratch_operands = 0 : i64, tpu.core_type = #tpu.core_type<tc>} {
    %get3A = arith.constant 0 : index
    %get3A_0 = arith.constant 0 : index
    %get3A_1 = vector.load %arg6[%get3A, %get3A_0] : memref<10000x32xbf16, #tpu.memory_space<vmem>>, vector<10000x32xbf16>
    %convert_element_type3A = arith.extf %get3A_1 : vector<10000x32xbf16> to vector<10000x32xf32>
    %get3A_2 = arith.constant 0 : index
    %get3A_3 = arith.constant 0 : index
    %get3A_4 = vector.load %arg3[%get3A_2, %get3A_3] : memref<10112x8xf32, #tpu.memory_space<vmem>>, vector<10000x1xf32>
    %get3A_5 = arith.constant 0 : index
    %get3A_6 = arith.constant 0 : index
    %get3A_7 = vector.load %arg4[%get3A_5, %get3A_6] : memref<10112x8xf32, #tpu.memory_space<vmem>>, vector<10000x1xf32>
    %add3A = arith.addf %get3A_4, %get3A_7 : vector<10000x1xf32>
    %add3A_8 = arith.constant 1.000000e+00 : f32
    %add3A_9 = vector.broadcast %add3A_8 : f32 to vector<10000x1xf32>
    %add3A_10 = arith.addf %add3A, %add3A_9 : vector<10000x1xf32>
    %rsqrt3A = math.rsqrt %add3A_10 : vector<10000x1xf32>
    %get3A_11 = arith.constant 0 : index
    %get3A_12 = arith.constant 0 : index
    %get3A_13 = vector.load %arg1[%get3A_11, %get3A_12] : memref<10112x32xf32, #tpu.memory_space<vmem>>, vector<10000x32xf32>
    %get3A_14 = arith.constant 0 : index
    %get3A_15 = arith.constant 0 : index
    %get3A_16 = vector.load %arg2[%get3A_14, %get3A_15] : memref<10112x32xf32, #tpu.memory_space<vmem>>, vector<10000x32xf32>
    %add3A_17 = arith.addf %get3A_13, %get3A_16 : vector<10000x32xf32>
    %get3A_18 = arith.constant 0 : index
    %get3A_19 = arith.constant 0 : index
    %get3A_20 = vector.load %arg5[%get3A_18, %get3A_19] : memref<10000x32xf32, #tpu.memory_space<vmem>>, vector<10000x32xf32>
    %add3A_21 = arith.addf %add3A_17, %get3A_20 : vector<10000x32xf32>
    %mul3A = vector.broadcast %rsqrt3A : vector<10000x1xf32> to vector<10000x32xf32>
    %mul3A_22 = arith.mulf %mul3A, %add3A_21 : vector<10000x32xf32>
    %get3A_23 = arith.constant 0 : index
    %get3A_24 = arith.constant 0 : index
    %get3A_25 = vector.load %arg7[%get3A_23, %get3A_24] : memref<1x32xf32, #tpu.memory_space<vmem>>, vector<1x32xf32>
    %add3A_26 = vector.broadcast %get3A_25 : vector<1x32xf32> to vector<10000x32xf32>
    %add3A_27 = arith.addf %mul3A_22, %add3A_26 : vector<10000x32xf32>
    %add3A_28 = arith.addf %add3A_27, %convert_element_type3A : vector<10000x32xf32>
    %get3A_29 = arith.constant 0 : index
    %get3A_30 = arith.constant 0 : index
    %get3A_31 = vector.load %arg8[%get3A_29, %get3A_30] : memref<1x32xf32, #tpu.memory_space<vmem>>, vector<1x32xf32>
    %get3A_32 = arith.constant 0 : index
    %get3A_33 = arith.constant 0 : index
    %get3A_34 = vector.load %arg9[%get3A_32, %get3A_33] : memref<1x32xf32, #tpu.memory_space<vmem>>, vector<1x32xf32>
    %reduce_sum3A = arith.constant dense<0.000000e+00> : vector<32xf32>
    %reduce_sum3A_35 = vector.multi_reduction <add>, %add3A_28, %reduce_sum3A [0] : vector<10000x32xf32> to vector<32xf32>
    %div3A = arith.constant 1.000000e+04 : f32
    %div3A_36 = vector.broadcast %div3A : f32 to vector<32xf32>
    %div3A_37 = arith.divf %reduce_sum3A_35, %div3A_36 : vector<32xf32>
    %jit3A = arith.constant 0 : i32
    %reduce_sum3A_38 = arith.constant dense<0.000000e+00> : vector<32xf32>
    %reduce_sum3A_39 = vector.multi_reduction <add>, %add3A_28, %reduce_sum3A_38 [0] : vector<10000x32xf32> to vector<32xf32>
    %broadcast_in_dim3A = vector.shape_cast %reduce_sum3A_39 : vector<32xf32> to vector<1x32xf32>
    %div3A_40 = arith.constant 1.000000e+04 : f32
    %div3A_41 = vector.broadcast %div3A_40 : f32 to vector<1x32xf32>
    %div3A_42 = arith.divf %broadcast_in_dim3A, %div3A_41 : vector<1x32xf32>
    %sub3A = vector.broadcast %div3A_42 : vector<1x32xf32> to vector<10000x32xf32>
    %sub3A_43 = arith.subf %add3A_28, %sub3A : vector<10000x32xf32>
    %square3A = arith.mulf %sub3A_43, %sub3A_43 : vector<10000x32xf32>
    %convert_element_type3A_44 = arith.sitofp %jit3A : i32 to f32
    %sub3A_45 = arith.constant 1.000000e+04 : f32
    %sub3A_46 = arith.subf %sub3A_45, %convert_element_type3A_44 : f32
    %reduce_sum3A_47 = arith.constant dense<0.000000e+00> : vector<32xf32>
    %reduce_sum3A_48 = vector.multi_reduction <add>, %square3A, %reduce_sum3A_47 [0] : vector<10000x32xf32> to vector<32xf32>
    %div3A_49 = vector.broadcast %sub3A_46 : f32 to vector<32xf32>
    %div3A_50 = arith.divf %reduce_sum3A_48, %div3A_49 : vector<32xf32>
    %gt3A = arith.constant 0.000000e+00 : f32
    %gt3A_51 = arith.cmpf ogt, %sub3A_46, %gt3A : f32
    %jit3A_52 = arith.constant 0x7FC00000 : f32
    %broadcast_in_dim3A_53 = vector.broadcast %jit3A_52 : f32 to vector<32xf32>
    %select_n3A = arith.select %gt3A_51, %div3A_50, %broadcast_in_dim3A_53 : vector<32xf32>
    %broadcast_in_dim3A_54 = vector.shape_cast %div3A_37 : vector<32xf32> to vector<1x32xf32>
    %sub3A_55 = vector.broadcast %broadcast_in_dim3A_54 : vector<1x32xf32> to vector<10000x32xf32>
    %sub3A_56 = arith.subf %add3A_28, %sub3A_55 : vector<10000x32xf32>
    %add3A_57 = arith.constant 9.99999974E-6 : f32
    %add3A_58 = vector.broadcast %add3A_57 : f32 to vector<32xf32>
    %add3A_59 = arith.addf %select_n3A, %add3A_58 : vector<32xf32>
    %sqrt3A = math.sqrt %add3A_59 : vector<32xf32>
    %broadcast_in_dim3A_60 = vector.shape_cast %sqrt3A : vector<32xf32> to vector<1x32xf32>
    %div3A_61 = vector.broadcast %broadcast_in_dim3A_60 : vector<1x32xf32> to vector<10000x32xf32>
    %div3A_62 = arith.divf %sub3A_56, %div3A_61 : vector<10000x32xf32>
    %mul3A_63 = vector.broadcast %get3A_31 : vector<1x32xf32> to vector<10000x32xf32>
    %mul3A_64 = arith.mulf %div3A_62, %mul3A_63 : vector<10000x32xf32>
    %add3A_65 = vector.broadcast %get3A_34 : vector<1x32xf32> to vector<10000x32xf32>
    %add3A_66 = arith.addf %mul3A_64, %add3A_65 : vector<10000x32xf32>
    %get3A_67 = arith.constant 0 : index
    %get3A_68 = arith.constant 0 : index
    %get3A_69 = vector.load %arg0[%get3A_67, %get3A_68] : memref<10000x32xbf16, #tpu.memory_space<vmem>>, vector<10000x32xbf16>
    %convert_element_type3A_70 = arith.extf %get3A_69 : vector<10000x32xbf16> to vector<10000x32xf32>
    %get3A_71 = arith.constant 0 : index
    %get3A_72 = arith.constant 0 : index
    %get3A_73 = vector.load %arg10[%get3A_71, %get3A_72] : memref<1x32xf32, #tpu.memory_space<vmem>>, vector<1x32xf32>
    %get3A_74 = arith.constant 0 : index
    %get3A_75 = arith.constant 0 : index
    %get3A_76 = vector.load %arg11[%get3A_74, %get3A_75] : memref<1x32xf32, #tpu.memory_space<vmem>>, vector<1x32xf32>
    %reduce_sum3A_77 = arith.constant dense<0.000000e+00> : vector<32xf32>
    %reduce_sum3A_78 = vector.multi_reduction <add>, %convert_element_type3A_70, %reduce_sum3A_77 [0] : vector<10000x32xf32> to vector<32xf32>
    %div3A_79 = arith.constant 1.000000e+04 : f32
    %div3A_80 = vector.broadcast %div3A_79 : f32 to vector<32xf32>
    %div3A_81 = arith.divf %reduce_sum3A_78, %div3A_80 : vector<32xf32>
    %jit3A_82 = arith.constant 0 : i32
    %reduce_sum3A_83 = arith.constant dense<0.000000e+00> : vector<32xf32>
    %reduce_sum3A_84 = vector.multi_reduction <add>, %convert_element_type3A_70, %reduce_sum3A_83 [0] : vector<10000x32xf32> to vector<32xf32>
    %broadcast_in_dim3A_85 = vector.shape_cast %reduce_sum3A_84 : vector<32xf32> to vector<1x32xf32>
    %div3A_86 = arith.constant 1.000000e+04 : f32
    %div3A_87 = vector.broadcast %div3A_86 : f32 to vector<1x32xf32>
    %div3A_88 = arith.divf %broadcast_in_dim3A_85, %div3A_87 : vector<1x32xf32>
    %sub3A_89 = vector.broadcast %div3A_88 : vector<1x32xf32> to vector<10000x32xf32>
    %sub3A_90 = arith.subf %convert_element_type3A_70, %sub3A_89 : vector<10000x32xf32>
    %square3A_91 = arith.mulf %sub3A_90, %sub3A_90 : vector<10000x32xf32>
    %convert_element_type3A_92 = arith.sitofp %jit3A_82 : i32 to f32
    %sub3A_93 = arith.constant 1.000000e+04 : f32
    %sub3A_94 = arith.subf %sub3A_93, %convert_element_type3A_92 : f32
    %reduce_sum3A_95 = arith.constant dense<0.000000e+00> : vector<32xf32>
    %reduce_sum3A_96 = vector.multi_reduction <add>, %square3A_91, %reduce_sum3A_95 [0] : vector<10000x32xf32> to vector<32xf32>
    %div3A_97 = vector.broadcast %sub3A_94 : f32 to vector<32xf32>
    %div3A_98 = arith.divf %reduce_sum3A_96, %div3A_97 : vector<32xf32>
    %gt3A_99 = arith.constant 0.000000e+00 : f32
    %gt3A_100 = arith.cmpf ogt, %sub3A_94, %gt3A_99 : f32
    %jit3A_101 = arith.constant 0x7FC00000 : f32
    %broadcast_in_dim3A_102 = vector.broadcast %jit3A_101 : f32 to vector<32xf32>
    %select_n3A_103 = arith.select %gt3A_100, %div3A_98, %broadcast_in_dim3A_102 : vector<32xf32>
    %broadcast_in_dim3A_104 = vector.shape_cast %div3A_81 : vector<32xf32> to vector<1x32xf32>
    %sub3A_105 = vector.broadcast %broadcast_in_dim3A_104 : vector<1x32xf32> to vector<10000x32xf32>
    %sub3A_106 = arith.subf %convert_element_type3A_70, %sub3A_105 : vector<10000x32xf32>
    %add3A_107 = arith.constant 9.99999974E-6 : f32
    %add3A_108 = vector.broadcast %add3A_107 : f32 to vector<32xf32>
    %add3A_109 = arith.addf %select_n3A_103, %add3A_108 : vector<32xf32>
    %sqrt3A_110 = math.sqrt %add3A_109 : vector<32xf32>
    %broadcast_in_dim3A_111 = vector.shape_cast %sqrt3A_110 : vector<32xf32> to vector<1x32xf32>
    %div3A_112 = vector.broadcast %broadcast_in_dim3A_111 : vector<1x32xf32> to vector<10000x32xf32>
    %div3A_113 = arith.divf %sub3A_106, %div3A_112 : vector<10000x32xf32>
    %mul3A_114 = vector.broadcast %get3A_73 : vector<1x32xf32> to vector<10000x32xf32>
    %mul3A_115 = arith.mulf %div3A_113, %mul3A_114 : vector<10000x32xf32>
    %add3A_116 = vector.broadcast %get3A_76 : vector<1x32xf32> to vector<10000x32xf32>
    %add3A_117 = arith.addf %mul3A_115, %add3A_116 : vector<10000x32xf32>
    %add3A_118 = arith.addf %add3A_66, %add3A_117 : vector<10000x32xf32>
    %get3A_119 = arith.constant 0 : index
    %get3A_120 = arith.constant 0 : index
    %get3A_121 = vector.load %arg12[%get3A_119, %get3A_120] : memref<32x64xf32, #tpu.memory_space<vmem>>, vector<32x64xf32>
    %dot_general3A = arith.constant dense<0.000000e+00> : vector<10000x64xf32>
    %dot_general3A_122 = tpu.matmul %add3A_118, %get3A_121, %dot_general3A {dimension_numbers = #tpu.dot_dimension_numbers<[1], [0], [0], [1], [0, 0, 1, 1], [], []>, transpose_lhs_hint = false} : vector<10000x32xf32>, vector<32x64xf32>, vector<10000x64xf32> -> vector<10000x64xf32>
    %get3A_123 = arith.constant 0 : index
    %get3A_124 = arith.constant 0 : index
    %get3A_125 = vector.load %arg13[%get3A_123, %get3A_124] : memref<1x64xf32, #tpu.memory_space<vmem>>, vector<1x64xf32>
    %add3A_126 = vector.broadcast %get3A_125 : vector<1x64xf32> to vector<10000x64xf32>
    %add3A_127 = arith.addf %dot_general3A_122, %add3A_126 : vector<10000x64xf32>
    %max3A = arith.constant 0.000000e+00 : f32
    %max3A_128 = vector.broadcast %max3A : f32 to vector<10000x64xf32>
    %max3A_129 = arith.maximumf %add3A_127, %max3A_128 : vector<10000x64xf32>
    %get3A_130 = arith.constant 0 : index
    %get3A_131 = arith.constant 0 : index
    %get3A_132 = vector.load %arg14[%get3A_130, %get3A_131] : memref<64x32xf32, #tpu.memory_space<vmem>>, vector<64x32xf32>
    %dot_general3A_133 = arith.constant dense<0.000000e+00> : vector<10000x32xf32>
    %dot_general3A_134 = tpu.matmul %max3A_129, %get3A_132, %dot_general3A_133 {dimension_numbers = #tpu.dot_dimension_numbers<[1], [0], [0], [1], [0, 0, 1, 1], [], []>, transpose_lhs_hint = false} : vector<10000x64xf32>, vector<64x32xf32>, vector<10000x32xf32> -> vector<10000x32xf32>
    %add3A_135 = arith.addf %add3A_118, %dot_general3A_134 : vector<10000x32xf32>
    %get3A_136 = arith.constant 0 : index
    %get3A_137 = arith.constant 0 : index
    %get3A_138 = vector.load %arg15[%get3A_136, %get3A_137] : memref<1x32xf32, #tpu.memory_space<vmem>>, vector<1x32xf32>
    %add3A_139 = vector.broadcast %get3A_138 : vector<1x32xf32> to vector<10000x32xf32>
    %add3A_140 = arith.addf %add3A_135, %add3A_139 : vector<10000x32xf32>
    %get3A_141 = arith.constant 0 : index
    %get3A_142 = arith.constant 0 : index
    %get3A_143 = vector.load %arg16[%get3A_141, %get3A_142] : memref<1x32xf32, #tpu.memory_space<vmem>>, vector<1x32xf32>
    %get3A_144 = arith.constant 0 : index
    %get3A_145 = arith.constant 0 : index
    %get3A_146 = vector.load %arg17[%get3A_144, %get3A_145] : memref<1x32xf32, #tpu.memory_space<vmem>>, vector<1x32xf32>
    %reduce_sum3A_147 = arith.constant dense<0.000000e+00> : vector<32xf32>
    %reduce_sum3A_148 = vector.multi_reduction <add>, %add3A_140, %reduce_sum3A_147 [0] : vector<10000x32xf32> to vector<32xf32>
    %div3A_149 = arith.constant 1.000000e+04 : f32
    %div3A_150 = vector.broadcast %div3A_149 : f32 to vector<32xf32>
    %div3A_151 = arith.divf %reduce_sum3A_148, %div3A_150 : vector<32xf32>
    %jit3A_152 = arith.constant 0 : i32
    %reduce_sum3A_153 = arith.constant dense<0.000000e+00> : vector<32xf32>
    %reduce_sum3A_154 = vector.multi_reduction <add>, %add3A_140, %reduce_sum3A_153 [0] : vector<10000x32xf32> to vector<32xf32>
    %broadcast_in_dim3A_155 = vector.shape_cast %reduce_sum3A_154 : vector<32xf32> to vector<1x32xf32>
    %div3A_156 = arith.constant 1.000000e+04 : f32
    %div3A_157 = vector.broadcast %div3A_156 : f32 to vector<1x32xf32>
    %div3A_158 = arith.divf %broadcast_in_dim3A_155, %div3A_157 : vector<1x32xf32>
    %sub3A_159 = vector.broadcast %div3A_158 : vector<1x32xf32> to vector<10000x32xf32>
    %sub3A_160 = arith.subf %add3A_140, %sub3A_159 : vector<10000x32xf32>
    %square3A_161 = arith.mulf %sub3A_160, %sub3A_160 : vector<10000x32xf32>
    %convert_element_type3A_162 = arith.sitofp %jit3A_152 : i32 to f32
    %sub3A_163 = arith.constant 1.000000e+04 : f32
    %sub3A_164 = arith.subf %sub3A_163, %convert_element_type3A_162 : f32
    %reduce_sum3A_165 = arith.constant dense<0.000000e+00> : vector<32xf32>
    %reduce_sum3A_166 = vector.multi_reduction <add>, %square3A_161, %reduce_sum3A_165 [0] : vector<10000x32xf32> to vector<32xf32>
    %div3A_167 = vector.broadcast %sub3A_164 : f32 to vector<32xf32>
    %div3A_168 = arith.divf %reduce_sum3A_166, %div3A_167 : vector<32xf32>
    %gt3A_169 = arith.constant 0.000000e+00 : f32
    %gt3A_170 = arith.cmpf ogt, %sub3A_164, %gt3A_169 : f32
    %jit3A_171 = arith.constant 0x7FC00000 : f32
    %broadcast_in_dim3A_172 = vector.broadcast %jit3A_171 : f32 to vector<32xf32>
    %select_n3A_173 = arith.select %gt3A_170, %div3A_168, %broadcast_in_dim3A_172 : vector<32xf32>
    %broadcast_in_dim3A_174 = vector.shape_cast %div3A_151 : vector<32xf32> to vector<1x32xf32>
    %sub3A_175 = vector.broadcast %broadcast_in_dim3A_174 : vector<1x32xf32> to vector<10000x32xf32>
    %sub3A_176 = arith.subf %add3A_140, %sub3A_175 : vector<10000x32xf32>
    %add3A_177 = arith.constant 9.99999974E-6 : f32
    %add3A_178 = vector.broadcast %add3A_177 : f32 to vector<32xf32>
    %add3A_179 = arith.addf %select_n3A_173, %add3A_178 : vector<32xf32>
    %sqrt3A_180 = math.sqrt %add3A_179 : vector<32xf32>
    %broadcast_in_dim3A_181 = vector.shape_cast %sqrt3A_180 : vector<32xf32> to vector<1x32xf32>
    %div3A_182 = vector.broadcast %broadcast_in_dim3A_181 : vector<1x32xf32> to vector<10000x32xf32>
    %div3A_183 = arith.divf %sub3A_176, %div3A_182 : vector<10000x32xf32>
    %mul3A_184 = vector.broadcast %get3A_143 : vector<1x32xf32> to vector<10000x32xf32>
    %mul3A_185 = arith.mulf %div3A_183, %mul3A_184 : vector<10000x32xf32>
    %add3A_186 = vector.broadcast %get3A_146 : vector<1x32xf32> to vector<10000x32xf32>
    %add3A_187 = arith.addf %mul3A_185, %add3A_186 : vector<10000x32xf32>
    %get3A_188 = arith.constant 0 : index
    %get3A_189 = arith.constant 0 : index
    %get3A_190 = vector.load %arg18[%get3A_188, %get3A_189] : memref<32x40xf32, #tpu.memory_space<vmem>>, vector<32x40xf32>
    %dot_general3A_191 = arith.constant dense<0.000000e+00> : vector<10000x40xf32>
    %dot_general3A_192 = tpu.matmul %add3A_187, %get3A_190, %dot_general3A_191 {dimension_numbers = #tpu.dot_dimension_numbers<[1], [0], [0], [1], [0, 0, 1, 1], [], []>, transpose_lhs_hint = false} : vector<10000x32xf32>, vector<32x40xf32>, vector<10000x40xf32> -> vector<10000x40xf32>
    %get3A_193 = arith.constant 0 : index
    %get3A_194 = arith.constant 0 : index
    %get3A_195 = vector.load %arg19[%get3A_193, %get3A_194] : memref<1x40xf32, #tpu.memory_space<vmem>>, vector<1x40xf32>
    %add3A_196 = vector.broadcast %get3A_195 : vector<1x40xf32> to vector<10000x40xf32>
    %add3A_197 = arith.addf %dot_general3A_192, %add3A_196 : vector<10000x40xf32>
    %reduce_max3A = arith.constant dense<0xFF800000> : vector<10000xf32>
    %reduce_max3A_198 = vector.multi_reduction <maximumf>, %add3A_197, %reduce_max3A [1] : vector<10000x40xf32> to vector<10000xf32>
    %broadcast_in_dim3A_199 = vector.shape_cast %reduce_max3A_198 : vector<10000xf32> to vector<10000x1xf32>
    %sub3A_200 = vector.broadcast %broadcast_in_dim3A_199 : vector<10000x1xf32> to vector<10000x40xf32>
    %sub3A_201 = arith.subf %add3A_197, %sub3A_200 : vector<10000x40xf32>
    %exp3A = math.exp %sub3A_201 : vector<10000x40xf32>
    %reduce_sum3A_202 = arith.constant dense<0.000000e+00> : vector<10000xf32>
    %reduce_sum3A_203 = vector.multi_reduction <add>, %exp3A, %reduce_sum3A_202 [1] : vector<10000x40xf32> to vector<10000xf32>
    %broadcast_in_dim3A_204 = vector.shape_cast %reduce_sum3A_203 : vector<10000xf32> to vector<10000x1xf32>
    %div3A_205 = vector.broadcast %broadcast_in_dim3A_204 : vector<10000x1xf32> to vector<10000x40xf32>
    %div3A_206 = arith.divf %exp3A, %div3A_205 : vector<10000x40xf32>
    %swap3A = arith.constant 0 : index
    %swap3A_207 = arith.constant 0 : index
    %swap3A_208 = vector.load %arg20[%swap3A, %swap3A_207] : memref<10000x40xf32, #tpu.memory_space<vmem>>, vector<10000x40xf32>
    tpu.vector_store %arg20[%swap3A, %swap3A_207], %div3A_206 {strides = array<i32>} : memref<10000x40xf32, #tpu.memory_space<vmem>>, vector<10000x40xf32>,
    return
  }
}

</mosaic_0001>

<sc_bundles>
// kernel: kernel.11.cloned.1.call-start
scs
__scs_entry_jumppad:
0x0: {  	(pc) =	sbr.rel $0x88, $3  }
0x1: {  	(tag) =	ssettag $0x0;
	lr =	simm.s32 $0x1  }
0x2: {  	[smem:$0x3F87] =	sst lr;
	_ =	strace $0xD0000000  }
0x3: {  	_ = 	snop  }
0x4: {  	_ = 	snop  }
0x5: {  	_ = 	snop  }
0x6: {  	_ = 	snop  }
0x7: {  	_ = 	snop  }
__scs_overlays_trampoline_lowered:
0x8: {  	[smem:$0x3F96] =	sst s0  }
0x9: {  	[smem:$0x3F97] =	sst s1  }
0xa: {  	[smem:$0x3F98] =	sst s2  }
0xb: {  	[smem:$0x3F99] =	sst s3  }
0xc: {  	[smem:$0x3F9A] =	sst s4  }
0xd: {  	[smem:$0x3F9B] =	sst s5  }
0xe: {  	[smem:$0x3F9C] =	sst s6  }
0xf: {  	[smem:$0x3F9D] =	sst s7  }
0x10: {  	[smem:$0x3F9E] =	sst s8  }
0x11: {  	[smem:$0x3F9F] =	sst s9;
	s0 =	simm.s32 @!p0 $0x0  }
0x12: {  	s1 =	sld [smem:$0x3F85];
	s0 =	simm.s32 @p0 $0x1  }
0x13: {  	[smem:$0x3FA0] =	sst s0;
	s0 =	simm.s32 @!p1 $0x0  }
0x14: {  	s2 =	sld [smem:$0x3F84];
	s0 =	simm.s32 @p1 $0x1  }
0x15: {  	[smem:$0x3FA1] =	sst s0;
	s0 =	simm.s32 @!p2 $0x0  }
0x16: {  	s3 =	sld [smem:$0x3FDB];
	s0 =	simm.s32 @p2 $0x1  }
0x17: {  	s4 =	simm.s32 $0x1BF5;
	[smem:$0x3FA3] =	sst s0  }
0x18: {  	s0 =	sld [smem:$0x3F86];
	_ =	swait.ge [sflag:s4], $0x0  }
0x19: {  	s7 =	sld [smem:$0x3F87]  }
0x1a: {  	s8 =	sadd.s32 $0xFFFFE003, lr  }
0x1b: {  	s9 =	sadd.s32 $0xFFFFFEF7, lr;
	s5 =	simm.s32 $0xFFFFFFFF;
	p2 =	slt.u32 s8, $0xFFFFF086  }
0x1c: {  	p1 =	slt.u32 s9, $0xF7A;
	s5 =	simm.s32 @!p2 $0x0  }
0x1d: {  	s5 =	simm.s32 @p1 $0x1;
	p0 =	seq.s32 s7, s2  }
0x1e: {  	s7 =	smul.u32 @!p0 $0xF7A, s2;
	p2 =	seq.s32 @!p0 s5, $0x0  }
0x1f: {  	s9 =	smul.u32 $0xF7A, s1;
	s8 =	simm.s32 @!p0 $0x1BF5;
	p2 =	por !p2, p0  }
0x20: {  	[sflag:s8] =	ssyncset.s32 @!p0 $0xFFFFF086;
	s6 =	sadd.s32 @!p0 s3, s7;
	s7 =	simm.s32 @!p0 $0x108  }
0x21: {  	s3 =	sadd.s32 s3, s9;
	s6 =	sadd.s32 @!p0 $0x88, s6;
	s7 =	simm.s32 @p2 $0x1082  }
0x22: {  	[simem:s7], [sflag:s8] =	dma.local @!p0 [hbm:s6], $0xF7A  }
0x23: {  	s9 =	sor.u32 $0xD0000000, s2;
	s6 =	simm.s32 $0x108;
	_ =	swait.ge @!p0 [sflag:s8], $0x0  }
0x24: {  	s3 =	sadd.s32 $0x88, s3;
	s6 =	simm.s32 @!p1 $0x1082;
	[sflag:s4] =	ssyncset.s32 $0xFFFFF086  }
0x25: {  	[simem:s6], [sflag:s4] =	dma.local [hbm:s3], $0xF7A  }
0x26: {  	[smem:$0x3F87] =	sst s1;
	(tag) =	ssettag s2;
	_ =	strace s9  }
0x27: {  	s1 =	sld [smem:$0x3F97]  }
0x28: {  	s2 =	sld [smem:$0x3F98]  }
0x29: {  	s4 =	sld [smem:$0x3F9A]  }
0x2a: {  	p0 =	seq.s32 s5, $0x0;
	s5 =	sld [smem:$0x3F9B]  }
0x2b: {  	s6 =	sld [smem:$0x3F9C]  }
0x2c: {  	s7 =	sld [smem:$0x3F9D]  }
0x2d: {  	s3 =	simm.s32 $0x108;
	s8 =	sld [smem:$0x3F9E]  }
0x2e: {  	s3 =	simm.s32 @!p0 $0x1082;
	s9 =	sld [smem:$0x3F9F]  }
0x2f: {  	lr =	sadd.s32 s0, s3;
	s0 =	sld [smem:$0x3F96]  }
0x30: {  	s3 =	sld [smem:$0x3F99]  }
0x31: {  	[smem:$0x3FA2] =	sst s10  }
0x32: {  	s10 =	sld [smem:$0x3FA0];
	_ =	sdelay $0x3  }
0x33: {  	p0 =	seq.s32 s10, $0x1;
	s10 =	sld [smem:$0x3FA2];
	_ =	sdelay $0x3  }
0x34: {  	[smem:$0x3FA2] =	sst s10  }
0x35: {  	s10 =	sld [smem:$0x3FA1];
	_ =	sdelay $0x3  }
0x36: {  	p1 =	seq.s32 s10, $0x1;
	s10 =	sld [smem:$0x3FA2];
	_ =	sdelay $0x3  }
0x37: {  	[smem:$0x3FA2] =	sst s10  }
0x38: {  	s10 =	sld [smem:$0x3FA3]  }
0x39: {  	_ = 	snop;
	(pc) =	sbr.ind lr, $3  }
0x3a: {  	_ = 	snop  }
0x3b: {  	_ = 	snop  }
0x3c: {  	p2 =	seq.s32 s10, $0x1;
	s10 =	sld [smem:$0x3FA2]  }
0x3d: {  	_ =	shalt  }
0x3e: {  	_ =	shalt  }
0x3f: {  	_ =	shalt  }
0x40: {  	_ =	shalt  }
0x41: {  	_ =	shalt  }
0x42: {  	_ =	shalt  }
0x43: {  	_ =	shalt  }
0x44: {  	_ =	shalt  }
0x45: {  	_ =	shalt  }
0x46: {  	_ =	shalt  }
0x47: {  	_ =	shalt  }
0x48: {  	_ =	shalt  }
0x49: {  	_ =	shalt  }
0x4a: {  	_ =	shalt  }
0x4b: {  	_ =	shalt  }
0x4c: {  	_ =	shalt  }
0x4d: {  	_ =	shalt  }
0x4e: {  	_ =	shalt  }
0x4f: {  	_ =	shalt  }
0x50: {  	_ =	shalt  }
0x51: {  	_ =	shalt  }
0x52: {  	_ =	shalt  }
0x53: {  	_ =	shalt  }
0x54: {  	_ =	shalt  }
0x55: {  	_ =	shalt  }
0x56: {  	_ =	shalt  }
0x57: {  	_ =	shalt  }
0x58: {  	_ =	shalt  }
0x59: {  	_ =	shalt  }
0x5a: {  	_ =	shalt  }
0x5b: {  	_ =	shalt  }
0x5c: {  	_ =	shalt  }
0x5d: {  	_ =	shalt  }
0x5e: {  	_ =	shalt  }
0x5f: {  	_ =	shalt  }
0x60: {  	_ =	shalt  }
0x61: {  	_ =	shalt  }
0x62: {  	_ =	shalt  }
0x63: {  	_ =	shalt  }
0x64: {  	_ =	shalt  }
0x65: {  	_ =	shalt  }
0x66: {  	_ =	shalt  }
0x67: {  	_ =	shalt  }
0x68: {  	_ =	shalt  }
0x69: {  	_ =	shalt  }
0x6a: {  	_ =	shalt  }
0x6b: {  	_ =	shalt  }
0x6c: {  	_ =	shalt  }
0x6d: {  	_ =	shalt  }
0x6e: {  	_ =	shalt  }
0x6f: {  	_ =	shalt  }
0x70: {  	_ =	shalt  }
0x71: {  	_ =	shalt  }
0x72: {  	_ =	shalt  }
0x73: {  	_ =	shalt  }
0x74: {  	_ =	shalt  }
0x75: {  	_ =	shalt  }
0x76: {  	_ =	shalt  }
0x77: {  	_ =	shalt  }
0x78: {  	_ =	shalt  }
0x79: {  	_ =	shalt  }
0x7a: {  	_ =	shalt  }
0x7b: {  	_ =	shalt  }
0x7c: {  	_ =	shalt  }
0x7d: {  	_ =	shalt  }
0x7e: {  	_ =	shalt  }
0x7f: {  	_ =	shalt  }
0x80: {  	_ =	shalt  }
0x81: {  	_ =	shalt  }
0x82: {  	_ =	shalt  }
0x83: {  	_ =	shalt  }
0x84: {  	_ =	shalt  }
0x85: {  	_ =	shalt  }
0x86: {  	_ =	shalt  }
0x87: {  	_ =	shalt  }
.Lfunc_end0:
.L_simem_size_0:
called_computation.1_lowered:
.L_overlay_start_0:
0x88: {  	s2 =	sld [smem:$0x3FD9]  }
0x89: {  	s3 =	sld [smem:$0x3FFE];
	_ =	sdelay $0x1  }
0x8a: {  	s1 =	srdreg.scid  }
0x8b: {  	s0 =	sand.u32 $0x1, s1  }
0x8c: {  	s17 =	sshll.u32 s0, $0xA;
	s2 =	sadd.s32 s3, s2  }
0x8d: {  	s2 =	sadd.s32 s2, s17  }
0x8e: {  	[smem:$0x3FAE] =	sst s2  }
0x8f: {  	_ = 	snop  }
0x90: {  	s2 =	sld [smem:$0x3FD0];
	(tm) =	ssettm $0x1  }
0x91: {  	s18 =	sld [smem:$0x3FFB];
	_ =	sdelay $0x3  }
0x92: {  	_ =	strace s18  }
0x93: {  	s3 =	sld [smem:$0x3FFC];
	_ =	sdelay $0x3  }
0x94: {  	_ =	strace s3  }
0x95: {  	s3 =	sld [smem:$0x3FFD];
	_ =	sdelay $0x3  }
0x96: {  	_ =	strace s3  }
0x97: {  	_ =	strace $0x8FFFFFFF  }
0x98: {  	s19 =	sld [smem:$0x3FDB];
	_ =	sdelay $0x1  }
0x99: {  	s4 =	simm.s32 $_scs_section_size  }
0x9a: {  	s5 =	simm.s32 $_size__tile_overlayer_lowered;
	s6 =	simm.s32 $_tile_overlayer_lowered  }
0x9b: {  	s22 =	simm.s32 $0x1BFF;
	s21 =	sshll.u32 s6, $0x1;
	s3 =	sadd.s32 s4, s19  }
0x9c: {  	s7 =	simm.s32 $0x0;
	s20 =	sshll.u32 s5, $0x1;
	s5 =	sadd.s32 s21, s3  }
0x9d: {  	[timem:s7], [sflag:s22] =	dma.local [hbm:s5], s20  }
0x9e: {  	_ =	swait.ge [sflag:s22], s20  }
0x9f: {  	s4 =	ssub.s32 $0x0, s20;
	[sflag:s22] =	ssyncset.done $0x0  }
0xa0: {  	[sflag:s22] =	ssyncadd.s32 s4;
	_ =	sdelay $0x1  }
0xa1: {  	s23 =	simm.s32 $0x1B8B  }
0xa2: {  	_ =	swait.ge [sflag:s23], $0x1  }
0xa3: {  	[sflag:s23] =	ssyncset.done $0x0  }
0xa4: {  	s25 =	simm.s32 $0x1B8E;
	s24 =	sld [smem:$0x3FFE];
	[sflag:s23] =	ssyncadd.s32 $0xFFFFFFFF  }
0xa5: {  	s26 =	simm.s32 $execute0_lowered;
	[smem:$0x3FD2] =	sst s25  }
0xa6: {  	s5 =	sshll.u32 s26, $0x1;
	_ =	strace $0x80000049;
	[dreg:$0x1] =	wrdreg $0xFFFFFFFF  }
0xa7: {  	s28 =	simm.s32 $_size_execute0_lowered;
	s3 =	sadd.s32 s3, s5;
	[dreg:$0x0] =	wrdreg $0x0  }
0xa8: {  	s5 =	sshll.u32 s28, $0x1;
	[dreg:$0x2] =	wrdreg s3  }
0xa9: {  	[dreg:$0x3] =	wrdreg s5  }
0xaa: {  	[dreg:$0x4] =	wrdreg $0xC0  }
0xab: {  	_ =	task [dreg:s7], $0x5FFFF  }
0xac: {  	[dreg:$0x1] =	wrdreg $0xFFFFFFFF  }
0xad: {  	[dreg:$0x0] =	wrdreg $0x60  }
0xae: {  	[dreg:$0x2] =	wrdreg s24  }
0xaf: {  	[dreg:$0x3] =	wrdreg s2  }
0xb0: {  	[dreg:$0x4] =	wrdreg $0x62200  }
0xb1: {  	[dreg:$0x5] =	wrdreg $0x9  }
0xb2: {  	_ =	task.clear_ibuf [dreg:s7], $0x6FFFF;
	_ =	strace $0x90000049  }
0xb3: {  	s29 =	simm.s32 $0x9;
	_ =	strace $0x8000004B  }
0xb4: {  	_ =	swait.ge [sflag:s29], $0x1  }
0xb5: {  	[sflag:s29] =	ssyncadd.s32 $0xFFFFFFFF  }
0xb6: {  	_ =	strace $0x9000004B  }
0xb7: {  	_ =	sfence  }
0xb8: {  	s30 =	sld [smem:$0x0];
	_ =	sdelay $0x2  }
0xb9: {  	s31 =	sshll.u32 s1, $0xD;
	s1 =	sshrl.u32 s1, $0x2  }
0xba: {  	s3 =	sand.u32 $0x4000, s31;
	s1 =	sadd.s32 s1, s30  }
0xbb: {  	s0 =	sor.u32 s3, s0;
	s1 =	sshll.u32 s1, $0x11  }
0xbc: {  	s0 =	sor.u32 s1, s0  }
0xbd: {  	s0 =	sadd.s32 $0x8F2B, s0  }
0xbe: {  	[sflag:s0] =	ssyncadd.remote.s32 $0x1  }
0xbf: {  	_ =	sfence.sel $0xFFFF  }
0xc0: {  	[dreg:$0x0] =	wrdreg $0xFFFFFFFF;
	(pc) =	sbr.abs _section_cstart, $3  }
0xc1: {  	[dreg:$0x1] =	wrdreg $0xFFFFFFFF  }
0xc2: {  	_ =	task.clear_ibuf [dreg:s7], $0x2FFFF;
	_ =	strace $0x9FFFFFFF  }
0xc3: {  	(tm) =	ssettm $0x7FFFFFFF  }
tec
execute0_lowered:
.L_overlay_start_1:
0x0: {  	(tag) =	ssettag $0x1  }
0x1: {  	s9 =	rddreg [dreg:$0x0]  }
0x2: {  	s5 =	rddreg [dreg:$0x1]  }
0x3: {  	s0 =	srdreg.scid;
	s2 =	rddreg [dreg:$0x2]  }
0x4: {  	s1 =	stileid.u32;
	s3 =	simm.s32 $0x0;
	s14 =	simm.s32 $0xDA200  }
0x5: {  	s15 =	simm.s32 $0x4E20;
	s16 =	simm.s32 $0x5820;
	s17 =	simm.s32 $0x1  }
0x6: {  	s18 =	simm.s32 $0x2;
	s6 =	sand.u32 $0x1, s0;
	s0 =	rddreg [dreg:$0x3]  }
0x7: {  	s19 =	simm.s32 $0x4DD0;
	s20 =	simm.s32 $0x0;
	[smem:$0x7FF] =	sst s3  }
0x8: {  	s8 =	smul.u32 $0x4F00, s1;
	s30 =	sshll.u32 s1, $0x6;
	s4 =	sshll.u32 s6, $0x4  }
0x9: {  	_ =	strace $0x8000004A;
	s7 =	ssub.s32 $0x2, s6;
	p0 =	seq.s32 s6, $0x1  }
0xa: {  	s6 =	sor.u32 $0x1C03, s30;
	s4 =	sor.u32 s1, s4;
	s11 =	sshrl.u32 s7, $0x1  }
0xb: {  	s12 =	sadd.s32 s8, s2;
	s13 =	sshrl.u32 s8, $0x3;
	s4 =	smul.u32 $0x2710, s4  }
0xc: {  	s14 =	simm.s32 @!p0 $0xE4000;
	s11 =	ssub.s32 s7, s11;
	s5 =	sadd.s32 s5, s13  }
0xd: {  	s31 =	sadd.s32 s14, s9;
	s14 =	simm.s32 $0x50;
	s4 =	sshrl.u32 s4, $0x3  }
0xe: {  	s10 =	sadd.s32 s4, s9;
	s4 =	sadd.s32 $0xD0400, s9;
	s9 =	smax.u32 s11, $0x1  }
0xf: {  	s11 =	sshrl.u32 s12, $0x3;
	s12 =	simm.s32 $0x3;
	s7 =	sadd.s32 $0x6A00, s10  }
0x10: {  	s8 =	sadd.s32 $0x10640, s10;
	s10 =	sadd.s32 s31, s13;
	s13 =	simm.s32 $0x2710  }
.LBB2_1:
0x11: {  	[spmem:s11], [sflag:s6] =	dma.local [hbm:s5], $0x9E0  }
0x12: {  	_ =	swait.ge [sflag:s12], $0x9E0  }
0x13: {  	[sflag:s12] =	ssyncset.done $0x0  }
0x14: {  	[sflag:s12] =	ssyncadd.s32 $0xFFFFF620  }
0x15: {  	[tilespmem:s3], [sflag:$0x3] =	stream.linear.gather [hbm4b:s7+s3], $0x2710, $0x38;
	[tilespmem:$0xB120] =	vst v63  }
0x16: {  	_ =	swait.ge [sflag:s12], $0x2710  }
0x17: {  	[sflag:s12] =	ssyncset.done $0x0  }
0x18: {  	[sflag:s12] =	ssyncadd.s32 $0xFFFFD8F0  }
0x19: {  	[tilespmem:s13], [sflag:$0x3] =	stream.linear.gather [hbm4b:s8+s3], $0x2710, $0x38;
	[tilespmem:$0xB120] =	vst v63  }
0x1a: {  	_ =	swait.ge [sflag:s12], $0x2710  }
0x1b: {  	[sflag:s12] =	ssyncset.done $0x0  }
0x1c: {  	[sflag:s12] =	ssyncadd.s32 $0xFFFFD8F0  }
0x1d: {  	[bflag:$0x0] =	sbarrier.arrive $0xFFFF  }
0x1e: {  	[tilespmem:s15], [sflag:$0x1] =	stream.indirect.gather [hbm4b:s4+s14], $0x20, s3, s14, $0xb8;
	[tilespmem:$0xB120] =	vst v63  }
0x1f: {  	s21 =	simm.s32 $0x50  }
0x20: {  	[tilespmem:s16], [sflag:$0x2] =	stream.indirect.gather [hbm4b:s4+s14], $0x20, s21, s14, $0xb8;
	[tilespmem:$0xB120] =	vst v63  }
0x21: {  	_ =	swait.ge [sflag:s17], $0xA00  }
0x22: {  	[sflag:s17] =	ssyncset.done $0x0  }
0x23: {  	s29 =	simm.s32 $0x2710;
	[sflag:s17] =	ssyncadd.s32 $0xFFFFF600  }
0x24: {  	[spmem:s2] =	stream.indirect.scatter.add.f32 [tilespmem:s15], [sflag:$0x3], $0x20, s29, s14, $0xb8;
	[tilespmem:$0xB120] =	vst v63  }
0x25: {  	_ =	swait.ge [sflag:s12], $0xA00  }
0x26: {  	[sflag:s12] =	ssyncset.done $0x0  }
0x27: {  	s30 =	simm.s32 $0xA0;
	[sflag:s12] =	ssyncadd.s32 $0xFFFFF600  }
0x28: {  	[tilespmem:s15], [sflag:$0x1] =	stream.indirect.gather [hbm4b:s4+s14], $0x20, s30, s14, $0xb8;
	[tilespmem:$0xB120] =	vst v63  }
0x29: {  	_ =	swait.ge [sflag:s18], $0xA00  }
0x2a: {  	[sflag:s18] =	ssyncset.done $0x0  }
0x2b: {  	s31 =	simm.s32 $0x2760;
	[sflag:s18] =	ssyncadd.s32 $0xFFFFF600  }
0x2c: {  	[spmem:s2] =	stream.indirect.scatter.add.f32 [tilespmem:s16], [sflag:$0x3], $0x20, s31, s14, $0xb8;
	[tilespmem:$0xB120] =	vst v63  }
0x2d: {  	_ =	swait.ge [sflag:s12], $0xA00  }
0x2e: {  	s22 =	simm.s32 $0x500;
	s21 =	simm.s32 $0xA0;
	[sflag:s12] =	ssyncset.done $0x0  }
.LBB2_2:
0x2f: {  	s23 =	sadd.s32 $0x50, s21  }
0x30: {  	[sflag:s12] =	ssyncadd.s32 $0xFFFFF600;
	s24 =	smov.u32 s22;
	s25 =	sadd.s32 $0x280, s22  }
0x31: {  	[tilespmem:s16], [sflag:$0x2] =	stream.indirect.gather [hbm4b:s4+s14], $0x20, s23, s14, $0xb8;
	[tilespmem:$0xB120] =	vst v63  }
0x32: {  	p0 =	sne.s32 s22, $0x9880;
	_ =	swait.ge [sflag:s17], $0xA00  }
0x33: {  	[sflag:s17] =	ssyncset.done $0x0  }
0x34: {  	s22 =	sadd.s32 $0x2710, s21;
	[sflag:s17] =	ssyncadd.s32 $0xFFFFF600  }
0x35: {  	[spmem:s2] =	stream.indirect.scatter.add.f32 [tilespmem:s15], [sflag:$0x3], $0x20, s22, s14, $0xb8;
	[tilespmem:$0xB120] =	vst v63  }
0x36: {  	_ =	swait.ge [sflag:s12], $0xA00  }
0x37: {  	[sflag:s12] =	ssyncset.done $0x0  }
0x38: {  	s22 =	sadd.s32 $0xA0, s21;
	[sflag:s12] =	ssyncadd.s32 $0xFFFFF600  }
0x39: {  	[tilespmem:s15], [sflag:$0x1] =	stream.indirect.gather [hbm4b:s4+s14], $0x20, s22, s14, $0xb8;
	[tilespmem:$0xB120] =	vst v63  }
0x3a: {  	_ =	swait.ge [sflag:s18], $0xA00  }
.Ltmp0:
0x3b: {  	[sflag:s18] =	ssyncset.done $0x0;
	(pc) =	sbr.rel @p0 .LBB2_2-.Ltmp0, $4  }
0x3c: {  	s21 =	sadd.s32 $0x2760, s21;
	[sflag:s18] =	ssyncadd.s32 $0xFFFFF600  }
0x3d: {  	[spmem:s2] =	stream.indirect.scatter.add.f32 [tilespmem:s16], [sflag:$0x3], $0x20, s21, s14, $0xb8;
	[tilespmem:$0xB120] =	vst v63  }
0x3e: {  	_ =	swait.ge [sflag:s12], $0xA00  }
0x3f: {  	s22 =	smov.u32 s25;
	s21 =	sshra.s32 s24, $0x2;
	[sflag:s12] =	ssyncset.done $0x0  }
0x40: {  	s22 =	sadd.s32 $0x50, s21;
	[sflag:s12] =	ssyncadd.s32 $0xFFFFF600  }
0x41: {  	[tilespmem:s16], [sflag:$0x2] =	stream.indirect.gather [hbm4b:s4+s14], $0x20, s22, s14, $0xb8;
	[tilespmem:$0xB120] =	vst v63  }
0x42: {  	_ =	swait.ge [sflag:s17], $0xA00  }
0x43: {  	[sflag:s17] =	ssyncset.done $0x0  }
0x44: {  	s29 =	sadd.s32 $0x2710, s21;
	[sflag:s17] =	ssyncadd.s32 $0xFFFFF600  }
0x45: {  	[spmem:s2] =	stream.indirect.scatter.add.f32 [tilespmem:s15], [sflag:$0x3], $0x20, s29, s14, $0xb8;
	[tilespmem:$0xB120] =	vst v63  }
0x46: {  	_ =	swait.ge [sflag:s12], $0xA00  }
0x47: {  	[sflag:s12] =	ssyncset.done $0x0  }
0x48: {  	s30 =	sadd.s32 $0xA0, s21;
	[sflag:s12] =	ssyncadd.s32 $0xFFFFF600  }
0x49: {  	[tilespmem:s15], [sflag:$0x1] =	stream.indirect.gather [hbm4b:s4+s14], $0x20, s30, s14, $0xb8;
	[tilespmem:$0xB120] =	vst v63  }
0x4a: {  	_ =	swait.ge [sflag:s18], $0xA00  }
0x4b: {  	[sflag:s18] =	ssyncset.done $0x0  }
0x4c: {  	s31 =	sadd.s32 $0x2760, s21;
	[sflag:s18] =	ssyncadd.s32 $0xFFFFF600  }
0x4d: {  	[spmem:s2] =	stream.indirect.scatter.add.f32 [tilespmem:s16], [sflag:$0x3], $0x20, s31, s14, $0xb8;
	[tilespmem:$0xB120] =	vst v63  }
0x4e: {  	_ =	swait.ge [sflag:s12], $0xA00  }
0x4f: {  	[sflag:s12] =	ssyncset.done $0x0  }
0x50: {  	[sflag:s12] =	ssyncadd.s32 $0xFFFFF600  }
0x51: {  	_ =	swait.ge [sflag:s17], $0xA00  }
0x52: {  	[sflag:s17] =	ssyncset.done $0x0  }
0x53: {  	[sflag:s17] =	ssyncadd.s32 $0xFFFFF600  }
0x54: {  	[spmem:s2] =	stream.indirect.scatter.add.f32 [tilespmem:s15], [sflag:$0x3], $0x20, s19, s14, $0xb8;
	[tilespmem:$0xB120] =	vst v63  }
0x55: {  	_ =	swait.ge [sflag:s12], $0xA00  }
0x56: {  	s20 =	sadd.s32 $0x1, s20;
	[sflag:s12] =	ssyncset.done $0x0  }
0x57: {  	p0 =	sne.s32 s20, s9;
	[sflag:s12] =	ssyncadd.s32 $0xFFFFF600  }
.Ltmp1:
0x58: {  	[bflag:$0x0] =	sbarrier.arrive $0xFFFF;
	(pc) =	sbr.rel @p0 .LBB2_1-.Ltmp1, $4  }
0x59: {  	[hbm:s10], [sflag:s6] =	dma.local [spmem:s11], $0x9E0  }
0x5a: {  	_ =	swait.ge [sflag:s12], $0x9E0  }
0x5b: {  	[sflag:s12] =	ssyncset.done $0x0  }
0x5c: {  	[sflag:s12] =	ssyncadd.s32 $0xFFFFF620  }
0x5d: {  	_ =	sfence.sel $0x180000  }
0x5e: {  	[bflag:$0x0] =	sbarrier.arrive $0xFFFF  }
0x5f: {  	p0 =	sne.s32 s1, $0x0;
	_ =	strace $0x9000004A  }
0x60: {  	s0 =	sadd.s32 @!p0 $0x100000, s0;
	[bflag:$0x2] =	sbarrier.arrive $0xFFFF  }
0x61: {  	[sflag:s0] =	ssyncadd.tile.s32 @!p0 $0x1;
	_ =	shalt  }
.Lfunc_end2:
_tile_overlayer_lowered:
.L_overlay_start_2:
0x62: {  	(tag) =	ssettag $0x2  }
0x63: {  	s0 =	rddreg [dreg:$0x0];
	s2 =	stileid.u32  }
0x64: {  	s1 =	rddreg [dreg:$0x1];
	p0 =	sne.s32 s2, $0x0  }
0x65: {  	s3 =	rddreg [dreg:$0x2];
	[bflag:$0x3] =	sbarrier.arrive $0xFFFF;
	s2 =	simm.s32 @!p0 $0x1C03  }
0x66: {  	[timem:s3], [sflag:s2] =	dma.local @!p0 [hbm:s0], s1  }
0x67: {  	s0 =	simm.s32 @!p0 $0x3  }
0x68: {  	_ =	swait.ge @!p0 [sflag:s0], s1  }
0x69: {  	s1 =	ssub.s32 @!p0 $0x0, s1;
	[sflag:s0] =	ssyncset.done @!p0 $0x0  }
0x6a: {  	[sflag:s0] =	ssyncadd.s32 @!p0 s1  }
0x6b: {  	[bflag:$0x3] =	sbarrier.arrive $0xFFFF  }
0x6c: {  	_ =	shalt  }

// kernel: kernel.8.cloned.1.call-start
scs
__scs_entry_jumppad:
0x0: {  	(pc) =	sbr.rel $0x88, $3  }
0x1: {  	(tag) =	ssettag $0x0;
	lr =	simm.s32 $0x1  }
0x2: {  	[smem:$0x3F87] =	sst lr;
	_ =	strace $0xD0000000  }
0x3: {  	_ = 	snop  }
0x4: {  	_ = 	snop  }
0x5: {  	_ = 	snop  }
0x6: {  	_ = 	snop  }
0x7: {  	_ = 	snop  }
__scs_overlays_trampoline_lowered:
0x8: {  	[smem:$0x3F96] =	sst s0  }
0x9: {  	[smem:$0x3F97] =	sst s1  }
0xa: {  	[smem:$0x3F98] =	sst s2  }
0xb: {  	[smem:$0x3F99] =	sst s3  }
0xc: {  	[smem:$0x3F9A] =	sst s4  }
0xd: {  	[smem:$0x3F9B] =	sst s5  }
0xe: {  	[smem:$0x3F9C] =	sst s6  }
0xf: {  	[smem:$0x3F9D] =	sst s7  }
0x10: {  	[smem:$0x3F9E] =	sst s8  }
0x11: {  	[smem:$0x3F9F] =	sst s9;
	s0 =	simm.s32 @!p0 $0x0  }
0x12: {  	s1 =	sld [smem:$0x3F85];
	s0 =	simm.s32 @p0 $0x1  }
0x13: {  	[smem:$0x3FA0] =	sst s0;
	s0 =	simm.s32 @!p1 $0x0  }
0x14: {  	s2 =	sld [smem:$0x3F84];
	s0 =	simm.s32 @p1 $0x1  }
0x15: {  	[smem:$0x3FA1] =	sst s0;
	s0 =	simm.s32 @!p2 $0x0  }
0x16: {  	s3 =	sld [smem:$0x3FDB];
	s0 =	simm.s32 @p2 $0x1  }
0x17: {  	s4 =	simm.s32 $0x1BF5;
	[smem:$0x3FA3] =	sst s0  }
0x18: {  	s0 =	sld [smem:$0x3F86];
	_ =	swait.ge [sflag:s4], $0x0  }
0x19: {  	s7 =	sld [smem:$0x3F87]  }
0x1a: {  	s8 =	sadd.s32 $0xFFFFE003, lr  }
0x1b: {  	s9 =	sadd.s32 $0xFFFFFEF7, lr;
	s5 =	simm.s32 $0xFFFFFFFF;
	p2 =	slt.u32 s8, $0xFFFFF086  }
0x1c: {  	p1 =	slt.u32 s9, $0xF7A;
	s5 =	simm.s32 @!p2 $0x0  }
0x1d: {  	s5 =	simm.s32 @p1 $0x1;
	p0 =	seq.s32 s7, s2  }
0x1e: {  	s7 =	smul.u32 @!p0 $0xF7A, s2;
	p2 =	seq.s32 @!p0 s5, $0x0  }
0x1f: {  	s9 =	smul.u32 $0xF7A, s1;
	s8 =	simm.s32 @!p0 $0x1BF5;
	p2 =	por !p2, p0  }
0x20: {  	[sflag:s8] =	ssyncset.s32 @!p0 $0xFFFFF086;
	s6 =	sadd.s32 @!p0 s3, s7;
	s7 =	simm.s32 @!p0 $0x108  }
0x21: {  	s3 =	sadd.s32 s3, s9;
	s6 =	sadd.s32 @!p0 $0x88, s6;
	s7 =	simm.s32 @p2 $0x1082  }
0x22: {  	[simem:s7], [sflag:s8] =	dma.local @!p0 [hbm:s6], $0xF7A  }
0x23: {  	s9 =	sor.u32 $0xD0000000, s2;
	s6 =	simm.s32 $0x108;
	_ =	swait.ge @!p0 [sflag:s8], $0x0  }
0x24: {  	s3 =	sadd.s32 $0x88, s3;
	s6 =	simm.s32 @!p1 $0x1082;
	[sflag:s4] =	ssyncset.s32 $0xFFFFF086  }
0x25: {  	[simem:s6], [sflag:s4] =	dma.local [hbm:s3], $0xF7A  }
0x26: {  	[smem:$0x3F87] =	sst s1;
	(tag) =	ssettag s2;
	_ =	strace s9  }
0x27: {  	s1 =	sld [smem:$0x3F97]  }
0x28: {  	s2 =	sld [smem:$0x3F98]  }
0x29: {  	s4 =	sld [smem:$0x3F9A]  }
0x2a: {  	p0 =	seq.s32 s5, $0x0;
	s5 =	sld [smem:$0x3F9B]  }
0x2b: {  	s6 =	sld [smem:$0x3F9C]  }
0x2c: {  	s7 =	sld [smem:$0x3F9D]  }
0x2d: {  	s3 =	simm.s32 $0x108;
	s8 =	sld [smem:$0x3F9E]  }
0x2e: {  	s3 =	simm.s32 @!p0 $0x1082;
	s9 =	sld [smem:$0x3F9F]  }
0x2f: {  	lr =	sadd.s32 s0, s3;
	s0 =	sld [smem:$0x3F96]  }
0x30: {  	s3 =	sld [smem:$0x3F99]  }
0x31: {  	[smem:$0x3FA2] =	sst s10  }
0x32: {  	s10 =	sld [smem:$0x3FA0];
	_ =	sdelay $0x3  }
0x33: {  	p0 =	seq.s32 s10, $0x1;
	s10 =	sld [smem:$0x3FA2];
	_ =	sdelay $0x3  }
0x34: {  	[smem:$0x3FA2] =	sst s10  }
0x35: {  	s10 =	sld [smem:$0x3FA1];
	_ =	sdelay $0x3  }
0x36: {  	p1 =	seq.s32 s10, $0x1;
	s10 =	sld [smem:$0x3FA2];
	_ =	sdelay $0x3  }
0x37: {  	[smem:$0x3FA2] =	sst s10  }
0x38: {  	s10 =	sld [smem:$0x3FA3]  }
0x39: {  	_ = 	snop;
	(pc) =	sbr.ind lr, $3  }
0x3a: {  	_ = 	snop  }
0x3b: {  	_ = 	snop  }
0x3c: {  	p2 =	seq.s32 s10, $0x1;
	s10 =	sld [smem:$0x3FA2]  }
0x3d: {  	_ =	shalt  }
0x3e: {  	_ =	shalt  }
0x3f: {  	_ =	shalt  }
0x40: {  	_ =	shalt  }
0x41: {  	_ =	shalt  }
0x42: {  	_ =	shalt  }
0x43: {  	_ =	shalt  }
0x44: {  	_ =	shalt  }
0x45: {  	_ =	shalt  }
0x46: {  	_ =	shalt  }
0x47: {  	_ =	shalt  }
0x48: {  	_ =	shalt  }
0x49: {  	_ =	shalt  }
0x4a: {  	_ =	shalt  }
0x4b: {  	_ =	shalt  }
0x4c: {  	_ =	shalt  }
0x4d: {  	_ =	shalt  }
0x4e: {  	_ =	shalt  }
0x4f: {  	_ =	shalt  }
0x50: {  	_ =	shalt  }
0x51: {  	_ =	shalt  }
0x52: {  	_ =	shalt  }
0x53: {  	_ =	shalt  }
0x54: {  	_ =	shalt  }
0x55: {  	_ =	shalt  }
0x56: {  	_ =	shalt  }
0x57: {  	_ =	shalt  }
0x58: {  	_ =	shalt  }
0x59: {  	_ =	shalt  }
0x5a: {  	_ =	shalt  }
0x5b: {  	_ =	shalt  }
0x5c: {  	_ =	shalt  }
0x5d: {  	_ =	shalt  }
0x5e: {  	_ =	shalt  }
0x5f: {  	_ =	shalt  }
0x60: {  	_ =	shalt  }
0x61: {  	_ =	shalt  }
0x62: {  	_ =	shalt  }
0x63: {  	_ =	shalt  }
0x64: {  	_ =	shalt  }
0x65: {  	_ =	shalt  }
0x66: {  	_ =	shalt  }
0x67: {  	_ =	shalt  }
0x68: {  	_ =	shalt  }
0x69: {  	_ =	shalt  }
0x6a: {  	_ =	shalt  }
0x6b: {  	_ =	shalt  }
0x6c: {  	_ =	shalt  }
0x6d: {  	_ =	shalt  }
0x6e: {  	_ =	shalt  }
0x6f: {  	_ =	shalt  }
0x70: {  	_ =	shalt  }
0x71: {  	_ =	shalt  }
0x72: {  	_ =	shalt  }
0x73: {  	_ =	shalt  }
0x74: {  	_ =	shalt  }
0x75: {  	_ =	shalt  }
0x76: {  	_ =	shalt  }
0x77: {  	_ =	shalt  }
0x78: {  	_ =	shalt  }
0x79: {  	_ =	shalt  }
0x7a: {  	_ =	shalt  }
0x7b: {  	_ =	shalt  }
0x7c: {  	_ =	shalt  }
0x7d: {  	_ =	shalt  }
0x7e: {  	_ =	shalt  }
0x7f: {  	_ =	shalt  }
0x80: {  	_ =	shalt  }
0x81: {  	_ =	shalt  }
0x82: {  	_ =	shalt  }
0x83: {  	_ =	shalt  }
0x84: {  	_ =	shalt  }
0x85: {  	_ =	shalt  }
0x86: {  	_ =	shalt  }
0x87: {  	_ =	shalt  }
.Lfunc_end0:
.L_simem_size_0:
called_computation_lowered:
.L_overlay_start_0:
0x88: {  	s2 =	sld [smem:$0x3FD9]  }
0x89: {  	s3 =	sld [smem:$0x3FFE];
	_ =	sdelay $0x1  }
0x8a: {  	s1 =	srdreg.scid  }
0x8b: {  	s0 =	sand.u32 $0x1, s1  }
0x8c: {  	s17 =	sshll.u32 s0, $0xA;
	s2 =	sadd.s32 s3, s2  }
0x8d: {  	s2 =	sadd.s32 s2, s17  }
0x8e: {  	[smem:$0x3FAE] =	sst s2  }
0x8f: {  	_ = 	snop  }
0x90: {  	s2 =	sld [smem:$0x3FD0];
	(tm) =	ssettm $0x1  }
0x91: {  	s18 =	sld [smem:$0x3FFB];
	_ =	sdelay $0x3  }
0x92: {  	_ =	strace s18  }
0x93: {  	s3 =	sld [smem:$0x3FFC];
	_ =	sdelay $0x3  }
0x94: {  	_ =	strace s3  }
0x95: {  	s3 =	sld [smem:$0x3FFD];
	_ =	sdelay $0x3  }
0x96: {  	_ =	strace s3  }
0x97: {  	_ =	strace $0x8FFFFFFF  }
0x98: {  	s19 =	sld [smem:$0x3FDB];
	_ =	sdelay $0x1  }
0x99: {  	s4 =	simm.s32 $_scs_section_size  }
0x9a: {  	s5 =	simm.s32 $_size__tile_overlayer_lowered;
	s6 =	simm.s32 $_tile_overlayer_lowered  }
0x9b: {  	s22 =	simm.s32 $0x1BFF;
	s21 =	sshll.u32 s6, $0x1;
	s3 =	sadd.s32 s4, s19  }
0x9c: {  	s7 =	simm.s32 $0x0;
	s20 =	sshll.u32 s5, $0x1;
	s5 =	sadd.s32 s21, s3  }
0x9d: {  	[timem:s7], [sflag:s22] =	dma.local [hbm:s5], s20  }
0x9e: {  	_ =	swait.ge [sflag:s22], s20  }
0x9f: {  	s4 =	ssub.s32 $0x0, s20;
	[sflag:s22] =	ssyncset.done $0x0  }
0xa0: {  	[sflag:s22] =	ssyncadd.s32 s4;
	_ =	sdelay $0x1  }
0xa1: {  	s23 =	simm.s32 $0x1B8B  }
0xa2: {  	_ =	swait.ge [sflag:s23], $0x1  }
0xa3: {  	[sflag:s23] =	ssyncset.done $0x0  }
0xa4: {  	s25 =	simm.s32 $0x1B8E;
	s24 =	sld [smem:$0x3FFE];
	[sflag:s23] =	ssyncadd.s32 $0xFFFFFFFF  }
0xa5: {  	s26 =	simm.s32 $execute0_lowered;
	[smem:$0x3FD2] =	sst s25  }
0xa6: {  	s5 =	sshll.u32 s26, $0x1;
	_ =	strace $0x80000046;
	[dreg:$0x1] =	wrdreg $0xFFFFFFFF  }
0xa7: {  	s28 =	simm.s32 $_size_execute0_lowered;
	s3 =	sadd.s32 s3, s5;
	[dreg:$0x0] =	wrdreg $0x0  }
0xa8: {  	s5 =	sshll.u32 s28, $0x1;
	[dreg:$0x2] =	wrdreg s3  }
0xa9: {  	[dreg:$0x3] =	wrdreg s5  }
0xaa: {  	[dreg:$0x4] =	wrdreg $0xC0  }
0xab: {  	_ =	task [dreg:s7], $0x5FFFF  }
0xac: {  	[dreg:$0x1] =	wrdreg $0xFFFFFFFF  }
0xad: {  	[dreg:$0x0] =	wrdreg $0x60  }
0xae: {  	[dreg:$0x2] =	wrdreg s24  }
0xaf: {  	[dreg:$0x3] =	wrdreg s2  }
0xb0: {  	[dreg:$0x4] =	wrdreg $0x29900  }
0xb1: {  	[dreg:$0x5] =	wrdreg $0x9  }
0xb2: {  	_ =	task.clear_ibuf [dreg:s7], $0x6FFFF;
	_ =	strace $0x90000046  }
0xb3: {  	s29 =	simm.s32 $0x9;
	_ =	strace $0x80000048  }
0xb4: {  	_ =	swait.ge [sflag:s29], $0x1  }
0xb5: {  	[sflag:s29] =	ssyncadd.s32 $0xFFFFFFFF  }
0xb6: {  	_ =	strace $0x90000048  }
0xb7: {  	_ =	sfence  }
0xb8: {  	s30 =	sld [smem:$0x0];
	_ =	sdelay $0x2  }
0xb9: {  	s31 =	sshll.u32 s1, $0xD;
	s1 =	sshrl.u32 s1, $0x2  }
0xba: {  	s3 =	sand.u32 $0x4000, s31;
	s1 =	sadd.s32 s1, s30  }
0xbb: {  	s0 =	sor.u32 s3, s0;
	s1 =	sshll.u32 s1, $0x11  }
0xbc: {  	s0 =	sor.u32 s1, s0  }
0xbd: {  	s0 =	sadd.s32 $0x8F2B, s0  }
0xbe: {  	[sflag:s0] =	ssyncadd.remote.s32 $0x1  }
0xbf: {  	_ =	sfence.sel $0xFFFF  }
0xc0: {  	[dreg:$0x0] =	wrdreg $0xFFFFFFFF;
	(pc) =	sbr.abs _section_cstart, $3  }
0xc1: {  	[dreg:$0x1] =	wrdreg $0xFFFFFFFF  }
0xc2: {  	_ =	task.clear_ibuf [dreg:s7], $0x2FFFF;
	_ =	strace $0x9FFFFFFF  }
0xc3: {  	(tm) =	ssettm $0x7FFFFFFF  }
tec
execute0_lowered:
.L_overlay_start_1:
0x0: {  	(tag) =	ssettag $0x1  }
0x1: {  	s9 =	rddreg [dreg:$0x0]  }
0x2: {  	s5 =	rddreg [dreg:$0x1]  }
0x3: {  	s1 =	rddreg [dreg:$0x2]  }
0x4: {  	s0 =	rddreg [dreg:$0x3]  }
0x5: {  	s3 =	simm.s32 $0x0;
	s4 =	srdreg.scid;
	s2 =	stileid.u32  }
0x6: {  	s13 =	simm.s32 $0x1A400;
	s14 =	simm.s32 $0x0;
	[smem:$0x7FF] =	sst s3  }
0x7: {  	s6 =	sand.u32 $0x1, s4;
	s8 =	smul.u32 $0x13C0, s2;
	s4 =	sadd.s32 $0x6800, s9  }
0x8: {  	s31 =	sshll.u32 s2, $0x6;
	_ =	strace $0x80000047;
	s7 =	ssub.s32 $0x2, s6  }
0x9: {  	s10 =	sshll.u32 s6, $0x4;
	p0 =	seq.s32 s6, $0x1;
	s6 =	sor.u32 $0x1C01, s31  }
0xa: {  	s11 =	sshrl.u32 s7, $0x1;
	s10 =	sor.u32 s2, s10;
	s12 =	sshrl.u32 s8, $0x3  }
0xb: {  	s30 =	sadd.s32 s8, s1;
	s13 =	simm.s32 @!p0 $0x1CC00;
	s29 =	smul.u32 $0x2710, s10  }
0xc: {  	s11 =	ssub.s32 s7, s11;
	s5 =	sadd.s32 s5, s12;
	s10 =	sshrl.u32 s30, $0x3  }
0xd: {  	s8 =	smax.u32 s11, $0x1;
	s11 =	simm.s32 $0x1;
	s7 =	sshrl.u32 s29, $0x3  }
0xe: {  	s7 =	sadd.s32 s9, s7;
	s9 =	sadd.s32 s13, s9;
	s13 =	simm.s32 $0x50  }
0xf: {  	s7 =	sadd.s32 $0x10640, s7;
	s9 =	sadd.s32 s9, s12;
	s12 =	simm.s32 $0x2710  }
.LBB2_1:
0x10: {  	[spmem:s10], [sflag:s6] =	dma.local [hbm:s5], $0x278  }
0x11: {  	_ =	swait.ge [sflag:s11], $0x278  }
0x12: {  	[sflag:s11] =	ssyncset.done $0x0  }
0x13: {  	[sflag:s11] =	ssyncadd.s32 $0xFFFFFD88  }
0x14: {  	[tilespmem:s3], [sflag:$0x1] =	stream.linear.gather [hbm4b:s7+s3], $0x2710, $0x38;
	[tilespmem:$0x3D50] =	vst v63  }
0x15: {  	_ =	swait.ge [sflag:s11], $0x2710  }
0x16: {  	[sflag:s11] =	ssyncset.done $0x0  }
0x17: {  	[sflag:s11] =	ssyncadd.s32 $0xFFFFD8F0  }
0x18: {  	[tilespmem:s12], [sflag:$0x1] =	stream.linear.gather [hbm4b:s4+s3], $0x280, $0x38;
	[tilespmem:$0x3D50] =	vst v63  }
0x19: {  	_ =	swait.ge [sflag:s11], $0x280  }
0x1a: {  	[sflag:s11] =	ssyncset.done $0x0  }
0x1b: {  	[sflag:s11] =	ssyncadd.s32 $0xFFFFFD80  }
0x1c: {  	s15 =	simm.s32 $0x0;
	[bflag:$0x0] =	sbarrier.arrive $0xFFFF  }
0x1d: {  	[spmem:s1] =	stream.indirect.scatter.add.f32 [tilespmem:s12], [sflag:$0x1], $0x8, s15, s13, $0xb8;
	[tilespmem:$0x3D50] =	vst v63  }
0x1e: {  	_ =	swait.ge [sflag:s11], $0x280  }
0x1f: {  	s15 =	simm.s32 $0x140;
	[sflag:s11] =	ssyncset.done $0x0  }
.LBB2_2:
0x20: {  	s16 =	sshra.s32 s15, $0x2;
	[sflag:s11] =	ssyncadd.s32 $0xFFFFFD80;
	p0 =	sne.s32 s15, $0x9B00  }
0x21: {  	[spmem:s1] =	stream.indirect.scatter.add.f32 [tilespmem:s12], [sflag:$0x1], $0x8, s16, s13, $0xb8;
	[tilespmem:$0x3D50] =	vst v63  }
.Ltmp0:
0x22: {  	_ = 	snop;
	(pc) =	sbr.rel @p0 .LBB2_2-.Ltmp0, $4  }
0x23: {  	_ = 	snop  }
0x24: {  	s15 =	sadd.s32 $0x140, s15  }
0x25: {  	_ =	swait.ge [sflag:s11], $0x280  }
0x26: {  	[sflag:s11] =	ssyncset.done $0x0  }
0x27: {  	s14 =	sadd.s32 $0x1, s14  }
0x28: {  	[sflag:s11] =	ssyncadd.s32 $0xFFFFFD80;
	p0 =	sne.s32 s14, s8  }
.Ltmp1:
0x29: {  	[bflag:$0x0] =	sbarrier.arrive $0xFFFF;
	(pc) =	sbr.rel @p0 .LBB2_1-.Ltmp1, $4  }
0x2a: {  	[hbm:s9], [sflag:s6] =	dma.local [spmem:s10], $0x278  }
0x2b: {  	_ =	swait.ge [sflag:s11], $0x278  }
0x2c: {  	[sflag:s11] =	ssyncset.done $0x0  }
0x2d: {  	[sflag:s11] =	ssyncadd.s32 $0xFFFFFD88  }
0x2e: {  	_ =	sfence.sel $0x180000  }
0x2f: {  	[bflag:$0x0] =	sbarrier.arrive $0xFFFF  }
0x30: {  	p0 =	sne.s32 s2, $0x0;
	_ =	strace $0x90000047  }
0x31: {  	s0 =	sadd.s32 @!p0 $0x100000, s0;
	[bflag:$0x2] =	sbarrier.arrive $0xFFFF  }
0x32: {  	[sflag:s0] =	ssyncadd.tile.s32 @!p0 $0x1;
	_ =	shalt  }
.Lfunc_end2:
_tile_overlayer_lowered:
.L_overlay_start_2:
0x33: {  	(tag) =	ssettag $0x2  }
0x34: {  	s0 =	rddreg [dreg:$0x0];
	s2 =	stileid.u32  }
0x35: {  	s1 =	rddreg [dreg:$0x1];
	p0 =	sne.s32 s2, $0x0  }
0x36: {  	s3 =	rddreg [dreg:$0x2];
	[bflag:$0x3] =	sbarrier.arrive $0xFFFF;
	s2 =	simm.s32 @!p0 $0x1C01  }
0x37: {  	[timem:s3], [sflag:s2] =	dma.local @!p0 [hbm:s0], s1  }
0x38: {  	s0 =	simm.s32 @!p0 $0x1  }
0x39: {  	_ =	swait.ge @!p0 [sflag:s0], s1  }
0x3a: {  	s1 =	ssub.s32 @!p0 $0x0, s1;
	[sflag:s0] =	ssyncset.done @!p0 $0x0  }
0x3b: {  	[sflag:s0] =	ssyncadd.s32 @!p0 s1  }
0x3c: {  	[bflag:$0x3] =	sbarrier.arrive $0xFFFF  }
0x3d: {  	_ =	shalt  }

</sc_bundles>
